<compile_context>
chip_gen: v7x
topology: tpu7x:2x2x1
jax: 0.10.2.dev20260603
libtpu: 0.0.44.dev20260713+nightly
codegen_flags: <defaults>
</compile_context>

<pallas_src>
import functools

import jax
import jax.numpy as jnp
from jax import lax
from jax.experimental import pallas as pl
from jax.experimental.pallas import tpu as pltpu
from jax.experimental.pallas import tpu_sc as plsc

_K = 20
_D = 64
_NC = 2
_NS = 16
_NW = _NC * _NS
_ISL = 128
_GPR = 2
_RPR = _GPR * _ISL


@functools.lru_cache(maxsize=None)
def _make_sc_gather(B):
    PW = B // _NW
    NPW = PW * _K
    assert B % _NW == 0 and PW % _RPR == 0 and NPW % _RPR == 0

    mesh = plsc.VectorSubcoreMesh(core_axis_name="c", subcore_axis_name="s")

    @functools.partial(
        pl.kernel,
        out_type=(jax.ShapeDtypeStruct((B, _D), jnp.float32),
                  jax.ShapeDtypeStruct((B, _D), jnp.float32),
                  jax.ShapeDtypeStruct((B * _K, _D), jnp.float32)),
        mesh=mesh,
        compiler_params=pltpu.CompilerParams(
            needs_layout_passes=True, use_tc_tiling_on_sc=False),
        scratch_types=[
            pltpu.VMEM((PW,), jnp.int32),
            pltpu.VMEM((PW,), jnp.int32),
            pltpu.VMEM((NPW,), jnp.int32),
            pltpu.VMEM((2, _RPR, _D), jnp.float32),
            pltpu.SemaphoreType.DMA,
            pltpu.SemaphoreType.DMA,
            pltpu.SemaphoreType.DMA,
            pltpu.SemaphoreType.DMA,
        ],
    )
    def sgns_gather(centers_h, contexts_h, negs_h, inemb_h, outemb_h,
                    vc_h, uo_h, ne_h, cidx, oidx, nidx, buf,
                    gsemA, gsemB, wsemA, wsemB):
        wid = lax.axis_index("s") * _NC + lax.axis_index("c")
        gsems = (gsemA, gsemB)
        wsems = (wsemA, wsemB)

        pltpu.sync_copy(centers_h.at[pl.ds(wid * PW, PW)], cidx)
        pltpu.sync_copy(contexts_h.at[pl.ds(wid * PW, PW)], oidx)
        pltpu.sync_copy(negs_h.at[pl.ds(wid * NPW, NPW)], nidx)

        def gathers(idx, table_h, r, b):
            return [
                pltpu.make_async_copy(
                    table_h.at[idx.at[pl.ds(r * _RPR + j * _ISL, _ISL)]],
                    buf.at[b].at[pl.ds(j * _ISL, _ISL)], gsems[b])
                for j in range(_GPR)
            ]

        def phase(idx, table_h, out_h, base, nrounds):
            def start_g(r, b):
                for cp in gathers(idx, table_h, r, b):
                    cp.start()

            def wb(r, b):
                return pltpu.make_async_copy(
                    buf.at[b], out_h.at[pl.ds(base + r * _RPR, _RPR)],
                    wsems[b])

            start_g(0, 0)
            start_g(1, 1)

            def round_body(r, b):
                for cp in gathers(idx, table_h, r, b):
                    cp.wait()
                w = wb(r, b)
                w.start()

                @pl.when(r + 2 < nrounds)
                def _():
                    w.wait()
                    start_g(r + 2, b)

            if nrounds <= 4:
                for r in range(nrounds):
                    round_body(r, r % 2)
            else:
                def loop_body(i, _):
                    for b in range(2):
                        round_body(i * 2 + b, b)
                    return 0
                lax.fori_loop(0, nrounds // 2, loop_body, 0)

            wb(nrounds - 2, (nrounds - 2) % 2).wait()
            wb(nrounds - 1, (nrounds - 1) % 2).wait()

        phase(cidx, inemb_h, vc_h, wid * PW, PW // _RPR)
        phase(oidx, outemb_h, uo_h, wid * PW, PW // _RPR)
        phase(nidx, outemb_h, ne_h, wid * NPW, NPW // _RPR)

    return sgns_gather


@functools.lru_cache(maxsize=None)
def _make_tc_loss(B, BB):
    nblk = B // BB

    def body(vc_ref, uo_ref, ne_ref, out_ref):
        i = pl.program_id(0)
        vc = vc_ref[...]
        pos = jnp.sum(vc * uo_ref[...], axis=1)
        acc = jnp.sum(-jnp.log(jax.nn.sigmoid(pos) + 1e-10))
        ns = jnp.sum(ne_ref[...] * vc[None], axis=2)
        acc = acc + jnp.sum(-jnp.log(jax.nn.sigmoid(-ns) + 1e-10))

        @pl.when(i == 0)
        def _():
            out_ref[...] = jnp.zeros_like(out_ref)

        out_ref[...] = out_ref[...] + (acc / B).reshape(1, 1)

    return pl.pallas_call(
        body,
        grid=(nblk,),
        in_specs=[
            pl.BlockSpec((BB, _D), lambda i: (i, 0)),
            pl.BlockSpec((BB, _D), lambda i: (i, 0)),
            pl.BlockSpec((_K, BB, _D), lambda i: (0, i, 0)),
        ],
        out_specs=pl.BlockSpec((1, 1), lambda i: (0, 0)),
        out_shape=jax.ShapeDtypeStruct((1, 1), jnp.float32),
    )


def kernel(centers, contexts, negs, in_embed, out_embed):
    B = centers.shape[0]
    c = centers.reshape(-1).astype(jnp.int32)
    o = contexts.reshape(-1).astype(jnp.int32)
    n = negs.astype(jnp.int32).T.reshape(-1)
    vc, uo, ne = _make_sc_gather(B)(c, o, n, in_embed, out_embed)
    loss = _make_tc_loss(B, 1024)(vc, uo, ne.reshape(_K, B, _D))
    return loss[0, 0]

# --- scband reference (transcript-rebuilt; emitter-appended) ---
"""Pipeline reference for scband-sgns-89232240542565 (READ-ONLY COPY).

The authoritative reference and input builder live on the scoring server;
editing this copy changes nothing except your own understanding.
"""

import jax, jax.numpy as jnp
import numpy as np

VOCAB = 1000000
EMB = 64
B = 16384
K_NEG = 20

def setup_inputs(seed: int = 0) -> dict:
    key = jax.random.key(seed)
    k1, k2, k3, k4, k5 = jax.random.split(key, 5)
    centers = jax.random.randint(k1, (B, 1), 0, VOCAB, dtype=jnp.int64)
    contexts = jax.random.randint(k2, (B, 1), 0, VOCAB, dtype=jnp.int64)
    negs = jax.random.randint(k3, (B, K_NEG), 0, VOCAB, dtype=jnp.int64)
    initrange = 0.5 / EMB
    in_embed = jax.random.uniform(k4, (VOCAB, EMB), minval=-initrange, maxval=initrange, dtype=jnp.float32)
    # original inits out_embed uniform(-0, 0) == zeros; use small random values so
    # the computation is non-degenerate while keeping the same math
    out_embed = jax.random.uniform(k5, (VOCAB, EMB), minval=-initrange, maxval=initrange, dtype=jnp.float32)
    return {"centers": centers, "contexts": contexts, "negs": negs,
            "in_embed": in_embed, "out_embed": out_embed}

def reference(centers, contexts, negs, in_embed, out_embed):
    # v_c = in_embed(centers).squeeze(1)
    v_c = jnp.take(in_embed, centers, axis=0).squeeze(1)          # [B, D]
    # u_o = out_embed(contexts).squeeze(1)
    u_o = jnp.take(out_embed, contexts, axis=0).squeeze(1)        # [B, D]
    # negs_emb = out_embed(negs)
    negs_emb = jnp.take(out_embed, negs, axis=0)                  # [B, K, D]
    pos_score = jnp.sum(u_o * v_c, axis=1)                        # [B]
    pos_loss = -jnp.log(jax.nn.sigmoid(pos_score) + 1e-10).mean()
    # bmm(negs_emb.neg(), v_c.unsqueeze(2)).squeeze(2)
    neg_score = jnp.einsum('bkd,bd->bk', -negs_emb, v_c)          # [B, K]
    neg_loss = -jnp.log(jax.nn.sigmoid(neg_score) + 1e-10).sum(axis=1).mean()
    loss = pos_loss + neg_loss
    return loss

if __name__ == "__main__":
    import jax
    _d = setup_inputs()
    print(jax.jit(kernel)(*tuple(_d.values())))

</pallas_src>

<mosaic_0001>
#map = affine_map<(d0, d1) -> (0)>
#map1 = affine_map<(d0, d1) -> (0, 0)>
module attributes {stable_mosaic.version = 14 : i64} {
  func.func @sgns_gather(%arg0: i32, %arg1: i32, %arg2: memref<16384xi32, #tpu.memory_space<hbm>>, %arg3: memref<16384xi32, #tpu.memory_space<hbm>>, %arg4: memref<327680xi32, #tpu.memory_space<hbm>>, %arg5: memref<1000000x64xf32, #tpu.memory_space<hbm>>, %arg6: memref<1000000x64xf32, #tpu.memory_space<hbm>>, %arg7: memref<16384x64xf32, #tpu.memory_space<hbm>>, %arg8: memref<16384x64xf32, #tpu.memory_space<hbm>>, %arg9: memref<327680x64xf32, #tpu.memory_space<hbm>>, %arg10: memref<512xi32, #tpu.memory_space<vmem>>, %arg11: memref<512xi32, #tpu.memory_space<vmem>>, %arg12: memref<10240xi32, #tpu.memory_space<vmem>>, %arg13: memref<2x256x64xf32, #tpu.memory_space<vmem>>, %arg14: memref<!tpu.dma_semaphore, #tpu.memory_space<semaphore_mem>>, %arg15: memref<!tpu.dma_semaphore, #tpu.memory_space<semaphore_mem>>, %arg16: memref<!tpu.dma_semaphore, #tpu.memory_space<semaphore_mem>>, %arg17: memref<!tpu.dma_semaphore, #tpu.memory_space<semaphore_mem>>) attributes {dimension_semantics = [#tpu.dimension_semantics<core_parallel>, #tpu.dimension_semantics<subcore_parallel>], iteration_bounds = array<i64: 2, 16>, scalar_prefetch = 0 : i64, scratch_operands = 8 : i64, tpu.core_type = #tpu.core_type<sc_vector_subcore>, window_params = [{transform_indices = #map}, {transform_indices = #map}, {transform_indices = #map}, {transform_indices = #map1}, {transform_indices = #map1}, {transform_indices = #map1}, {transform_indices = #map1}, {transform_indices = #map1}]} {
    %mul3A = arith.constant 2 : i32
    %mul3A_0 = arith.muli %arg1, %mul3A : i32
    %add3A = arith.addi %mul3A_0, %arg0 : i32
    %mul3A_1 = arith.constant 512 : i32
    %mul3A_2 = arith.muli %add3A, %mul3A_1 : i32
    "tpu.region"() ({
      %run_scoped3A = tpu.sem_alloc : memref<!tpu.dma_semaphore, #tpu.memory_space<semaphore_mem>>
      %dma_start3A_427 = tpu.memref_slice %arg2[%mul3A_2] : memref<16384xi32, #tpu.memory_space<hbm>> -> memref<512xi32, #tpu.memory_space<hbm>>
      %dma_start3A_428 = tpu.memref_slice %arg2[%mul3A_2] : memref<16384xi32, #tpu.memory_space<hbm>> -> memref<512xi32, #tpu.memory_space<hbm>>
      tpu.enqueue_dma source(%dma_start3A_428 : memref<512xi32, #tpu.memory_space<hbm>>) target(%arg10 : memref<512xi32, #tpu.memory_space<vmem>>) target_semaphore(%run_scoped3A : memref<!tpu.dma_semaphore, #tpu.memory_space<semaphore_mem>>)
      %dma_wait3A_429 = tpu.memref_slice %arg2[%mul3A_2] : memref<16384xi32, #tpu.memory_space<hbm>> -> memref<512xi32, #tpu.memory_space<hbm>>
      %dma_wait3A_430 = tpu.memref_slice %arg2[%mul3A_2] : memref<16384xi32, #tpu.memory_space<hbm>> -> memref<512xi32, #tpu.memory_space<hbm>>
      tpu.wait_dma2 semaphore(%run_scoped3A : memref<!tpu.dma_semaphore, #tpu.memory_space<semaphore_mem>>) src(%dma_wait3A_430 : memref<512xi32, #tpu.memory_space<hbm>>) dst(%arg10 : memref<512xi32, #tpu.memory_space<vmem>>)
      tpu.yield
    }) : () -> ()
    %mul3A_3 = arith.constant 512 : i32
    %mul3A_4 = arith.muli %add3A, %mul3A_3 : i32
    "tpu.region"() ({
      %run_scoped3A = tpu.sem_alloc : memref<!tpu.dma_semaphore, #tpu.memory_space<semaphore_mem>>
      %dma_start3A_427 = tpu.memref_slice %arg3[%mul3A_4] : memref<16384xi32, #tpu.memory_space<hbm>> -> memref<512xi32, #tpu.memory_space<hbm>>
      %dma_start3A_428 = tpu.memref_slice %arg3[%mul3A_4] : memref<16384xi32, #tpu.memory_space<hbm>> -> memref<512xi32, #tpu.memory_space<hbm>>
      tpu.enqueue_dma source(%dma_start3A_428 : memref<512xi32, #tpu.memory_space<hbm>>) target(%arg11 : memref<512xi32, #tpu.memory_space<vmem>>) target_semaphore(%run_scoped3A : memref<!tpu.dma_semaphore, #tpu.memory_space<semaphore_mem>>)
      %dma_wait3A_429 = tpu.memref_slice %arg3[%mul3A_4] : memref<16384xi32, #tpu.memory_space<hbm>> -> memref<512xi32, #tpu.memory_space<hbm>>
      %dma_wait3A_430 = tpu.memref_slice %arg3[%mul3A_4] : memref<16384xi32, #tpu.memory_space<hbm>> -> memref<512xi32, #tpu.memory_space<hbm>>
      tpu.wait_dma2 semaphore(%run_scoped3A : memref<!tpu.dma_semaphore, #tpu.memory_space<semaphore_mem>>) src(%dma_wait3A_430 : memref<512xi32, #tpu.memory_space<hbm>>) dst(%arg11 : memref<512xi32, #tpu.memory_space<vmem>>)
      tpu.yield
    }) : () -> ()
    %mul3A_5 = arith.constant 10240 : i32
    %mul3A_6 = arith.muli %add3A, %mul3A_5 : i32
    "tpu.region"() ({
      %run_scoped3A = tpu.sem_alloc : memref<!tpu.dma_semaphore, #tpu.memory_space<semaphore_mem>>
      %dma_start3A_427 = tpu.memref_slice %arg4[%mul3A_6] : memref<327680xi32, #tpu.memory_space<hbm>> -> memref<10240xi32, #tpu.memory_space<hbm>>
      %dma_start3A_428 = tpu.memref_slice %arg4[%mul3A_6] : memref<327680xi32, #tpu.memory_space<hbm>> -> memref<10240xi32, #tpu.memory_space<hbm>>
      tpu.enqueue_dma source(%dma_start3A_428 : memref<10240xi32, #tpu.memory_space<hbm>>) target(%arg12 : memref<10240xi32, #tpu.memory_space<vmem>>) target_semaphore(%run_scoped3A : memref<!tpu.dma_semaphore, #tpu.memory_space<semaphore_mem>>)
      %dma_wait3A_429 = tpu.memref_slice %arg4[%mul3A_6] : memref<327680xi32, #tpu.memory_space<hbm>> -> memref<10240xi32, #tpu.memory_space<hbm>>
      %dma_wait3A_430 = tpu.memref_slice %arg4[%mul3A_6] : memref<327680xi32, #tpu.memory_space<hbm>> -> memref<10240xi32, #tpu.memory_space<hbm>>
      tpu.wait_dma2 semaphore(%run_scoped3A : memref<!tpu.dma_semaphore, #tpu.memory_space<semaphore_mem>>) src(%dma_wait3A_430 : memref<10240xi32, #tpu.memory_space<hbm>>) dst(%arg12 : memref<10240xi32, #tpu.memory_space<vmem>>)
      tpu.yield
    }) : () -> ()
    %mul3A_7 = arith.constant 512 : i32
    %mul3A_8 = arith.muli %add3A, %mul3A_7 : i32
    %dma_start3A = arith.constant 0 : i32
    %dma_start3A_9 = arith.constant 0 : i32
    %dma_start3A_10 = arith.constant 0 : i32
    %dma_start3A_11 = tpu.memref_slice %arg13[%dma_start3A, %dma_start3A_9, %dma_start3A_10] : memref<2x256x64xf32, #tpu.memory_space<vmem>> -> memref<1x256x64xf32, #tpu.memory_space<vmem>>
    %dma_start3A_12 = tpu.memref_squeeze %dma_start3A_11 : memref<1x256x64xf32, #tpu.memory_space<vmem>> -> memref<256x64xf32, #tpu.memory_space<vmem>>
    %dma_start3A_13 = arith.constant 0 : i32
    %dma_start3A_14 = arith.constant 0 : i32
    %dma_start3A_15 = tpu.memref_slice %dma_start3A_12[%dma_start3A_13, %dma_start3A_14] : memref<256x64xf32, #tpu.memory_space<vmem>> -> memref<128x64xf32, #tpu.memory_space<vmem>>
    %dma_start3A_16 = arith.constant 0 : i32
    %dma_start3A_17 = tpu.memref_slice %arg10[%dma_start3A_16] : memref<512xi32, #tpu.memory_space<vmem>> -> memref<128xi32, #tpu.memory_space<vmem>>
    %dma_start3A_18 = arith.constant 0 : i32
    %dma_start3A_19 = arith.constant 0 : i32
    %dma_start3A_20 = tpu.memref_slice %arg5[%dma_start3A_18, %dma_start3A_19] : memref<1000000x64xf32, #tpu.memory_space<hbm>> -> memref<1000000x64xf32, #tpu.memory_space<hbm>>
    tpu.enqueue_indirect_dma source(%dma_start3A_20 : memref<1000000x64xf32, #tpu.memory_space<hbm>>) target(%dma_start3A_15 : memref<128x64xf32, #tpu.memory_space<vmem>>) offsets(%dma_start3A_17 : memref<128xi32, #tpu.memory_space<vmem>>) semaphore(%arg14 : memref<!tpu.dma_semaphore, #tpu.memory_space<semaphore_mem>>)
    %dma_start3A_21 = arith.constant 0 : i32
    %dma_start3A_22 = arith.constant 0 : i32
    %dma_start3A_23 = arith.constant 0 : i32
    %dma_start3A_24 = tpu.memref_slice %arg13[%dma_start3A_21, %dma_start3A_22, %dma_start3A_23] : memref<2x256x64xf32, #tpu.memory_space<vmem>> -> memref<1x256x64xf32, #tpu.memory_space<vmem>>
    %dma_start3A_25 = tpu.memref_squeeze %dma_start3A_24 : memref<1x256x64xf32, #tpu.memory_space<vmem>> -> memref<256x64xf32, #tpu.memory_space<vmem>>
    %dma_start3A_26 = arith.constant 128 : i32
    %dma_start3A_27 = arith.constant 0 : i32
    %dma_start3A_28 = tpu.memref_slice %dma_start3A_25[%dma_start3A_26, %dma_start3A_27] : memref<256x64xf32, #tpu.memory_space<vmem>> -> memref<128x64xf32, #tpu.memory_space<vmem>>
    %dma_start3A_29 = arith.constant 128 : i32
    %dma_start3A_30 = tpu.memref_slice %arg10[%dma_start3A_29] : memref<512xi32, #tpu.memory_space<vmem>> -> memref<128xi32, #tpu.memory_space<vmem>>
    %dma_start3A_31 = arith.constant 0 : i32
    %dma_start3A_32 = arith.constant 0 : i32
    %dma_start3A_33 = tpu.memref_slice %arg5[%dma_start3A_31, %dma_start3A_32] : memref<1000000x64xf32, #tpu.memory_space<hbm>> -> memref<1000000x64xf32, #tpu.memory_space<hbm>>
    tpu.enqueue_indirect_dma source(%dma_start3A_33 : memref<1000000x64xf32, #tpu.memory_space<hbm>>) target(%dma_start3A_28 : memref<128x64xf32, #tpu.memory_space<vmem>>) offsets(%dma_start3A_30 : memref<128xi32, #tpu.memory_space<vmem>>) semaphore(%arg14 : memref<!tpu.dma_semaphore, #tpu.memory_space<semaphore_mem>>)
    %dma_start3A_34 = arith.constant 1 : i32
    %dma_start3A_35 = arith.constant 0 : i32
    %dma_start3A_36 = arith.constant 0 : i32
    %dma_start3A_37 = tpu.memref_slice %arg13[%dma_start3A_34, %dma_start3A_35, %dma_start3A_36] : memref<2x256x64xf32, #tpu.memory_space<vmem>> -> memref<1x256x64xf32, #tpu.memory_space<vmem>>
    %dma_start3A_38 = tpu.memref_squeeze %dma_start3A_37 : memref<1x256x64xf32, #tpu.memory_space<vmem>> -> memref<256x64xf32, #tpu.memory_space<vmem>>
    %dma_start3A_39 = arith.constant 0 : i32
    %dma_start3A_40 = arith.constant 0 : i32
    %dma_start3A_41 = tpu.memref_slice %dma_start3A_38[%dma_start3A_39, %dma_start3A_40] : memref<256x64xf32, #tpu.memory_space<vmem>> -> memref<128x64xf32, #tpu.memory_space<vmem>>
    %dma_start3A_42 = arith.constant 256 : i32
    %dma_start3A_43 = tpu.memref_slice %arg10[%dma_start3A_42] : memref<512xi32, #tpu.memory_space<vmem>> -> memref<128xi32, #tpu.memory_space<vmem>>
    %dma_start3A_44 = arith.constant 0 : i32
    %dma_start3A_45 = arith.constant 0 : i32
    %dma_start3A_46 = tpu.memref_slice %arg5[%dma_start3A_44, %dma_start3A_45] : memref<1000000x64xf32, #tpu.memory_space<hbm>> -> memref<1000000x64xf32, #tpu.memory_space<hbm>>
    tpu.enqueue_indirect_dma source(%dma_start3A_46 : memref<1000000x64xf32, #tpu.memory_space<hbm>>) target(%dma_start3A_41 : memref<128x64xf32, #tpu.memory_space<vmem>>) offsets(%dma_start3A_43 : memref<128xi32, #tpu.memory_space<vmem>>) semaphore(%arg15 : memref<!tpu.dma_semaphore, #tpu.memory_space<semaphore_mem>>)
    %dma_start3A_47 = arith.constant 1 : i32
    %dma_start3A_48 = arith.constant 0 : i32
    %dma_start3A_49 = arith.constant 0 : i32
    %dma_start3A_50 = tpu.memref_slice %arg13[%dma_start3A_47, %dma_start3A_48, %dma_start3A_49] : memref<2x256x64xf32, #tpu.memory_space<vmem>> -> memref<1x256x64xf32, #tpu.memory_space<vmem>>
    %dma_start3A_51 = tpu.memref_squeeze %dma_start3A_50 : memref<1x256x64xf32, #tpu.memory_space<vmem>> -> memref<256x64xf32, #tpu.memory_space<vmem>>
    %dma_start3A_52 = arith.constant 128 : i32
    %dma_start3A_53 = arith.constant 0 : i32
    %dma_start3A_54 = tpu.memref_slice %dma_start3A_51[%dma_start3A_52, %dma_start3A_53] : memref<256x64xf32, #tpu.memory_space<vmem>> -> memref<128x64xf32, #tpu.memory_space<vmem>>
    %dma_start3A_55 = arith.constant 384 : i32
    %dma_start3A_56 = tpu.memref_slice %arg10[%dma_start3A_55] : memref<512xi32, #tpu.memory_space<vmem>> -> memref<128xi32, #tpu.memory_space<vmem>>
    %dma_start3A_57 = arith.constant 0 : i32
    %dma_start3A_58 = arith.constant 0 : i32
    %dma_start3A_59 = tpu.memref_slice %arg5[%dma_start3A_57, %dma_start3A_58] : memref<1000000x64xf32, #tpu.memory_space<hbm>> -> memref<1000000x64xf32, #tpu.memory_space<hbm>>
    tpu.enqueue_indirect_dma source(%dma_start3A_59 : memref<1000000x64xf32, #tpu.memory_space<hbm>>) target(%dma_start3A_54 : memref<128x64xf32, #tpu.memory_space<vmem>>) offsets(%dma_start3A_56 : memref<128xi32, #tpu.memory_space<vmem>>) semaphore(%arg15 : memref<!tpu.dma_semaphore, #tpu.memory_space<semaphore_mem>>)
    %dma_wait3A = arith.constant 0 : i32
    %dma_wait3A_60 = arith.constant 0 : i32
    %dma_wait3A_61 = arith.constant 0 : i32
    %dma_wait3A_62 = tpu.memref_slice %arg13[%dma_wait3A, %dma_wait3A_60, %dma_wait3A_61] : memref<2x256x64xf32, #tpu.memory_space<vmem>> -> memref<1x256x64xf32, #tpu.memory_space<vmem>>
    %dma_wait3A_63 = tpu.memref_squeeze %dma_wait3A_62 : memref<1x256x64xf32, #tpu.memory_space<vmem>> -> memref<256x64xf32, #tpu.memory_space<vmem>>
    %dma_wait3A_64 = arith.constant 0 : i32
    %dma_wait3A_65 = arith.constant 0 : i32
    %dma_wait3A_66 = tpu.memref_slice %dma_wait3A_63[%dma_wait3A_64, %dma_wait3A_65] : memref<256x64xf32, #tpu.memory_space<vmem>> -> memref<128x64xf32, #tpu.memory_space<vmem>>
    %dma_wait3A_67 = arith.constant 0 : i32
    %dma_wait3A_68 = tpu.memref_slice %arg10[%dma_wait3A_67] : memref<512xi32, #tpu.memory_space<vmem>> -> memref<128xi32, #tpu.memory_space<vmem>>
    %dma_wait3A_69 = arith.constant 0 : i32
    %dma_wait3A_70 = arith.constant 0 : i32
    %dma_wait3A_71 = tpu.memref_slice %arg5[%dma_wait3A_69, %dma_wait3A_70] : memref<1000000x64xf32, #tpu.memory_space<hbm>> -> memref<1000000x64xf32, #tpu.memory_space<hbm>>
    tpu.wait_indirect_dma semaphore(%arg14 : memref<!tpu.dma_semaphore, #tpu.memory_space<semaphore_mem>>) src(%dma_wait3A_71 : memref<1000000x64xf32, #tpu.memory_space<hbm>>) dst(%dma_wait3A_66 : memref<128x64xf32, #tpu.memory_space<vmem>>)
    %dma_wait3A_72 = arith.constant 0 : i32
    %dma_wait3A_73 = arith.constant 0 : i32
    %dma_wait3A_74 = arith.constant 0 : i32
    %dma_wait3A_75 = tpu.memref_slice %arg13[%dma_wait3A_72, %dma_wait3A_73, %dma_wait3A_74] : memref<2x256x64xf32, #tpu.memory_space<vmem>> -> memref<1x256x64xf32, #tpu.memory_space<vmem>>
    %dma_wait3A_76 = tpu.memref_squeeze %dma_wait3A_75 : memref<1x256x64xf32, #tpu.memory_space<vmem>> -> memref<256x64xf32, #tpu.memory_space<vmem>>
    %dma_wait3A_77 = arith.constant 128 : i32
    %dma_wait3A_78 = arith.constant 0 : i32
    %dma_wait3A_79 = tpu.memref_slice %dma_wait3A_76[%dma_wait3A_77, %dma_wait3A_78] : memref<256x64xf32, #tpu.memory_space<vmem>> -> memref<128x64xf32, #tpu.memory_space<vmem>>
    %dma_wait3A_80 = arith.constant 128 : i32
    %dma_wait3A_81 = tpu.memref_slice %arg10[%dma_wait3A_80] : memref<512xi32, #tpu.memory_space<vmem>> -> memref<128xi32, #tpu.memory_space<vmem>>
    %dma_wait3A_82 = arith.constant 0 : i32
    %dma_wait3A_83 = arith.constant 0 : i32
    %dma_wait3A_84 = tpu.memref_slice %arg5[%dma_wait3A_82, %dma_wait3A_83] : memref<1000000x64xf32, #tpu.memory_space<hbm>> -> memref<1000000x64xf32, #tpu.memory_space<hbm>>
    tpu.wait_indirect_dma semaphore(%arg14 : memref<!tpu.dma_semaphore, #tpu.memory_space<semaphore_mem>>) src(%dma_wait3A_84 : memref<1000000x64xf32, #tpu.memory_space<hbm>>) dst(%dma_wait3A_79 : memref<128x64xf32, #tpu.memory_space<vmem>>)
    %add3A_85 = arith.constant 0 : i32
    %add3A_86 = arith.addi %mul3A_8, %add3A_85 : i32
    %dma_start3A_87 = arith.constant 0 : i32
    %dma_start3A_88 = arith.constant 0 : i32
    %dma_start3A_89 = arith.constant 0 : i32
    %dma_start3A_90 = tpu.memref_slice %arg13[%dma_start3A_87, %dma_start3A_88, %dma_start3A_89] : memref<2x256x64xf32, #tpu.memory_space<vmem>> -> memref<1x256x64xf32, #tpu.memory_space<vmem>>
    %dma_start3A_91 = tpu.memref_squeeze %dma_start3A_90 : memref<1x256x64xf32, #tpu.memory_space<vmem>> -> memref<256x64xf32, #tpu.memory_space<vmem>>
    %dma_start3A_92 = arith.constant 0 : i32
    %dma_start3A_93 = tpu.memref_slice %arg7[%add3A_86, %dma_start3A_92] : memref<16384x64xf32, #tpu.memory_space<hbm>> -> memref<256x64xf32, #tpu.memory_space<hbm>>
    %dma_start3A_94 = arith.constant 0 : i32
    %dma_start3A_95 = tpu.memref_slice %arg7[%add3A_86, %dma_start3A_94] : memref<16384x64xf32, #tpu.memory_space<hbm>> -> memref<256x64xf32, #tpu.memory_space<hbm>>
    %dma_start3A_96 = arith.constant 0 : i32
    %dma_start3A_97 = arith.constant 0 : i32
    %dma_start3A_98 = tpu.memref_slice %arg13[%dma_start3A_87, %dma_start3A_96, %dma_start3A_97] : memref<2x256x64xf32, #tpu.memory_space<vmem>> -> memref<1x256x64xf32, #tpu.memory_space<vmem>>
    %dma_start3A_99 = tpu.memref_squeeze %dma_start3A_98 : memref<1x256x64xf32, #tpu.memory_space<vmem>> -> memref<256x64xf32, #tpu.memory_space<vmem>>
    tpu.enqueue_dma source(%dma_start3A_99 : memref<256x64xf32, #tpu.memory_space<vmem>>) target(%dma_start3A_95 : memref<256x64xf32, #tpu.memory_space<hbm>>) target_semaphore(%arg16 : memref<!tpu.dma_semaphore, #tpu.memory_space<semaphore_mem>>)
    %dma_wait3A_100 = arith.constant 1 : i32
    %dma_wait3A_101 = arith.constant 0 : i32
    %dma_wait3A_102 = arith.constant 0 : i32
    %dma_wait3A_103 = tpu.memref_slice %arg13[%dma_wait3A_100, %dma_wait3A_101, %dma_wait3A_102] : memref<2x256x64xf32, #tpu.memory_space<vmem>> -> memref<1x256x64xf32, #tpu.memory_space<vmem>>
    %dma_wait3A_104 = tpu.memref_squeeze %dma_wait3A_103 : memref<1x256x64xf32, #tpu.memory_space<vmem>> -> memref<256x64xf32, #tpu.memory_space<vmem>>
    %dma_wait3A_105 = arith.constant 0 : i32
    %dma_wait3A_106 = arith.constant 0 : i32
    %dma_wait3A_107 = tpu.memref_slice %dma_wait3A_104[%dma_wait3A_105, %dma_wait3A_106] : memref<256x64xf32, #tpu.memory_space<vmem>> -> memref<128x64xf32, #tpu.memory_space<vmem>>
    %dma_wait3A_108 = arith.constant 256 : i32
    %dma_wait3A_109 = tpu.memref_slice %arg10[%dma_wait3A_108] : memref<512xi32, #tpu.memory_space<vmem>> -> memref<128xi32, #tpu.memory_space<vmem>>
    %dma_wait3A_110 = arith.constant 0 : i32
    %dma_wait3A_111 = arith.constant 0 : i32
    %dma_wait3A_112 = tpu.memref_slice %arg5[%dma_wait3A_110, %dma_wait3A_111] : memref<1000000x64xf32, #tpu.memory_space<hbm>> -> memref<1000000x64xf32, #tpu.memory_space<hbm>>
    tpu.wait_indirect_dma semaphore(%arg15 : memref<!tpu.dma_semaphore, #tpu.memory_space<semaphore_mem>>) src(%dma_wait3A_112 : memref<1000000x64xf32, #tpu.memory_space<hbm>>) dst(%dma_wait3A_107 : memref<128x64xf32, #tpu.memory_space<vmem>>)
    %dma_wait3A_113 = arith.constant 1 : i32
    %dma_wait3A_114 = arith.constant 0 : i32
    %dma_wait3A_115 = arith.constant 0 : i32
    %dma_wait3A_116 = tpu.memref_slice %arg13[%dma_wait3A_113, %dma_wait3A_114, %dma_wait3A_115] : memref<2x256x64xf32, #tpu.memory_space<vmem>> -> memref<1x256x64xf32, #tpu.memory_space<vmem>>
    %dma_wait3A_117 = tpu.memref_squeeze %dma_wait3A_116 : memref<1x256x64xf32, #tpu.memory_space<vmem>> -> memref<256x64xf32, #tpu.memory_space<vmem>>
    %dma_wait3A_118 = arith.constant 128 : i32
    %dma_wait3A_119 = arith.constant 0 : i32
    %dma_wait3A_120 = tpu.memref_slice %dma_wait3A_117[%dma_wait3A_118, %dma_wait3A_119] : memref<256x64xf32, #tpu.memory_space<vmem>> -> memref<128x64xf32, #tpu.memory_space<vmem>>
    %dma_wait3A_121 = arith.constant 384 : i32
    %dma_wait3A_122 = tpu.memref_slice %arg10[%dma_wait3A_121] : memref<512xi32, #tpu.memory_space<vmem>> -> memref<128xi32, #tpu.memory_space<vmem>>
    %dma_wait3A_123 = arith.constant 0 : i32
    %dma_wait3A_124 = arith.constant 0 : i32
    %dma_wait3A_125 = tpu.memref_slice %arg5[%dma_wait3A_123, %dma_wait3A_124] : memref<1000000x64xf32, #tpu.memory_space<hbm>> -> memref<1000000x64xf32, #tpu.memory_space<hbm>>
    tpu.wait_indirect_dma semaphore(%arg15 : memref<!tpu.dma_semaphore, #tpu.memory_space<semaphore_mem>>) src(%dma_wait3A_125 : memref<1000000x64xf32, #tpu.memory_space<hbm>>) dst(%dma_wait3A_120 : memref<128x64xf32, #tpu.memory_space<vmem>>)
    %add3A_126 = arith.constant 256 : i32
    %add3A_127 = arith.addi %mul3A_8, %add3A_126 : i32
    %dma_start3A_128 = arith.constant 1 : i32
    %dma_start3A_129 = arith.constant 0 : i32
    %dma_start3A_130 = arith.constant 0 : i32
    %dma_start3A_131 = tpu.memref_slice %arg13[%dma_start3A_128, %dma_start3A_129, %dma_start3A_130] : memref<2x256x64xf32, #tpu.memory_space<vmem>> -> memref<1x256x64xf32, #tpu.memory_space<vmem>>
    %dma_start3A_132 = tpu.memref_squeeze %dma_start3A_131 : memref<1x256x64xf32, #tpu.memory_space<vmem>> -> memref<256x64xf32, #tpu.memory_space<vmem>>
    %dma_start3A_133 = arith.constant 0 : i32
    %dma_start3A_134 = tpu.memref_slice %arg7[%add3A_127, %dma_start3A_133] : memref<16384x64xf32, #tpu.memory_space<hbm>> -> memref<256x64xf32, #tpu.memory_space<hbm>>
    %dma_start3A_135 = arith.constant 0 : i32
    %dma_start3A_136 = tpu.memref_slice %arg7[%add3A_127, %dma_start3A_135] : memref<16384x64xf32, #tpu.memory_space<hbm>> -> memref<256x64xf32, #tpu.memory_space<hbm>>
    %dma_start3A_137 = arith.constant 0 : i32
    %dma_start3A_138 = arith.constant 0 : i32
    %dma_start3A_139 = tpu.memref_slice %arg13[%dma_start3A_128, %dma_start3A_137, %dma_start3A_138] : memref<2x256x64xf32, #tpu.memory_space<vmem>> -> memref<1x256x64xf32, #tpu.memory_space<vmem>>
    %dma_start3A_140 = tpu.memref_squeeze %dma_start3A_139 : memref<1x256x64xf32, #tpu.memory_space<vmem>> -> memref<256x64xf32, #tpu.memory_space<vmem>>
    tpu.enqueue_dma source(%dma_start3A_140 : memref<256x64xf32, #tpu.memory_space<vmem>>) target(%dma_start3A_136 : memref<256x64xf32, #tpu.memory_space<hbm>>) target_semaphore(%arg17 : memref<!tpu.dma_semaphore, #tpu.memory_space<semaphore_mem>>)
    %add3A_141 = arith.constant 0 : i32
    %add3A_142 = arith.addi %mul3A_8, %add3A_141 : i32
    %dma_wait3A_143 = arith.constant 0 : i32
    %dma_wait3A_144 = arith.constant 0 : i32
    %dma_wait3A_145 = arith.constant 0 : i32
    %dma_wait3A_146 = tpu.memref_slice %arg13[%dma_wait3A_143, %dma_wait3A_144, %dma_wait3A_145] : memref<2x256x64xf32, #tpu.memory_space<vmem>> -> memref<1x256x64xf32, #tpu.memory_space<vmem>>
    %dma_wait3A_147 = tpu.memref_squeeze %dma_wait3A_146 : memref<1x256x64xf32, #tpu.memory_space<vmem>> -> memref<256x64xf32, #tpu.memory_space<vmem>>
    %dma_wait3A_148 = arith.constant 0 : i32
    %dma_wait3A_149 = tpu.memref_slice %arg7[%add3A_142, %dma_wait3A_148] : memref<16384x64xf32, #tpu.memory_space<hbm>> -> memref<256x64xf32, #tpu.memory_space<hbm>>
    %dma_wait3A_150 = arith.constant 0 : i32
    %dma_wait3A_151 = tpu.memref_slice %arg7[%add3A_142, %dma_wait3A_150] : memref<16384x64xf32, #tpu.memory_space<hbm>> -> memref<256x64xf32, #tpu.memory_space<hbm>>
    %dma_wait3A_152 = arith.constant 0 : i32
    %dma_wait3A_153 = arith.constant 0 : i32
    %dma_wait3A_154 = tpu.memref_slice %arg13[%dma_wait3A_143, %dma_wait3A_152, %dma_wait3A_153] : memref<2x256x64xf32, #tpu.memory_space<vmem>> -> memref<1x256x64xf32, #tpu.memory_space<vmem>>
    %dma_wait3A_155 = tpu.memref_squeeze %dma_wait3A_154 : memref<1x256x64xf32, #tpu.memory_space<vmem>> -> memref<256x64xf32, #tpu.memory_space<vmem>>
    tpu.wait_dma2 semaphore(%arg16 : memref<!tpu.dma_semaphore, #tpu.memory_space<semaphore_mem>>) src(%dma_wait3A_155 : memref<256x64xf32, #tpu.memory_space<vmem>>) dst(%dma_wait3A_151 : memref<256x64xf32, #tpu.memory_space<hbm>>)
    %add3A_156 = arith.constant 256 : i32
    %add3A_157 = arith.addi %mul3A_8, %add3A_156 : i32
    %dma_wait3A_158 = arith.constant 1 : i32
    %dma_wait3A_159 = arith.constant 0 : i32
    %dma_wait3A_160 = arith.constant 0 : i32
    %dma_wait3A_161 = tpu.memref_slice %arg13[%dma_wait3A_158, %dma_wait3A_159, %dma_wait3A_160] : memref<2x256x64xf32, #tpu.memory_space<vmem>> -> memref<1x256x64xf32, #tpu.memory_space<vmem>>
    %dma_wait3A_162 = tpu.memref_squeeze %dma_wait3A_161 : memref<1x256x64xf32, #tpu.memory_space<vmem>> -> memref<256x64xf32, #tpu.memory_space<vmem>>
    %dma_wait3A_163 = arith.constant 0 : i32
    %dma_wait3A_164 = tpu.memref_slice %arg7[%add3A_157, %dma_wait3A_163] : memref<16384x64xf32, #tpu.memory_space<hbm>> -> memref<256x64xf32, #tpu.memory_space<hbm>>
    %dma_wait3A_165 = arith.constant 0 : i32
    %dma_wait3A_166 = tpu.memref_slice %arg7[%add3A_157, %dma_wait3A_165] : memref<16384x64xf32, #tpu.memory_space<hbm>> -> memref<256x64xf32, #tpu.memory_space<hbm>>
    %dma_wait3A_167 = arith.constant 0 : i32
    %dma_wait3A_168 = arith.constant 0 : i32
    %dma_wait3A_169 = tpu.memref_slice %arg13[%dma_wait3A_158, %dma_wait3A_167, %dma_wait3A_168] : memref<2x256x64xf32, #tpu.memory_space<vmem>> -> memref<1x256x64xf32, #tpu.memory_space<vmem>>
    %dma_wait3A_170 = tpu.memref_squeeze %dma_wait3A_169 : memref<1x256x64xf32, #tpu.memory_space<vmem>> -> memref<256x64xf32, #tpu.memory_space<vmem>>
    tpu.wait_dma2 semaphore(%arg17 : memref<!tpu.dma_semaphore, #tpu.memory_space<semaphore_mem>>) src(%dma_wait3A_170 : memref<256x64xf32, #tpu.memory_space<vmem>>) dst(%dma_wait3A_166 : memref<256x64xf32, #tpu.memory_space<hbm>>)
    %mul3A_171 = arith.constant 512 : i32
    %mul3A_172 = arith.muli %add3A, %mul3A_171 : i32
    %dma_start3A_173 = arith.constant 0 : i32
    %dma_start3A_174 = arith.constant 0 : i32
    %dma_start3A_175 = arith.constant 0 : i32
    %dma_start3A_176 = tpu.memref_slice %arg13[%dma_start3A_173, %dma_start3A_174, %dma_start3A_175] : memref<2x256x64xf32, #tpu.memory_space<vmem>> -> memref<1x256x64xf32, #tpu.memory_space<vmem>>
    %dma_start3A_177 = tpu.memref_squeeze %dma_start3A_176 : memref<1x256x64xf32, #tpu.memory_space<vmem>> -> memref<256x64xf32, #tpu.memory_space<vmem>>
    %dma_start3A_178 = arith.constant 0 : i32
    %dma_start3A_179 = arith.constant 0 : i32
    %dma_start3A_180 = tpu.memref_slice %dma_start3A_177[%dma_start3A_178, %dma_start3A_179] : memref<256x64xf32, #tpu.memory_space<vmem>> -> memref<128x64xf32, #tpu.memory_space<vmem>>
    %dma_start3A_181 = arith.constant 0 : i32
    %dma_start3A_182 = tpu.memref_slice %arg11[%dma_start3A_181] : memref<512xi32, #tpu.memory_space<vmem>> -> memref<128xi32, #tpu.memory_space<vmem>>
    %dma_start3A_183 = arith.constant 0 : i32
    %dma_start3A_184 = arith.constant 0 : i32
    %dma_start3A_185 = tpu.memref_slice %arg6[%dma_start3A_183, %dma_start3A_184] : memref<1000000x64xf32, #tpu.memory_space<hbm>> -> memref<1000000x64xf32, #tpu.memory_space<hbm>>
    tpu.enqueue_indirect_dma source(%dma_start3A_185 : memref<1000000x64xf32, #tpu.memory_space<hbm>>) target(%dma_start3A_180 : memref<128x64xf32, #tpu.memory_space<vmem>>) offsets(%dma_start3A_182 : memref<128xi32, #tpu.memory_space<vmem>>) semaphore(%arg14 : memref<!tpu.dma_semaphore, #tpu.memory_space<semaphore_mem>>)
    %dma_start3A_186 = arith.constant 0 : i32
    %dma_start3A_187 = arith.constant 0 : i32
    %dma_start3A_188 = arith.constant 0 : i32
    %dma_start3A_189 = tpu.memref_slice %arg13[%dma_start3A_186, %dma_start3A_187, %dma_start3A_188] : memref<2x256x64xf32, #tpu.memory_space<vmem>> -> memref<1x256x64xf32, #tpu.memory_space<vmem>>
    %dma_start3A_190 = tpu.memref_squeeze %dma_start3A_189 : memref<1x256x64xf32, #tpu.memory_space<vmem>> -> memref<256x64xf32, #tpu.memory_space<vmem>>
    %dma_start3A_191 = arith.constant 128 : i32
    %dma_start3A_192 = arith.constant 0 : i32
    %dma_start3A_193 = tpu.memref_slice %dma_start3A_190[%dma_start3A_191, %dma_start3A_192] : memref<256x64xf32, #tpu.memory_space<vmem>> -> memref<128x64xf32, #tpu.memory_space<vmem>>
    %dma_start3A_194 = arith.constant 128 : i32
    %dma_start3A_195 = tpu.memref_slice %arg11[%dma_start3A_194] : memref<512xi32, #tpu.memory_space<vmem>> -> memref<128xi32, #tpu.memory_space<vmem>>
    %dma_start3A_196 = arith.constant 0 : i32
    %dma_start3A_197 = arith.constant 0 : i32
    %dma_start3A_198 = tpu.memref_slice %arg6[%dma_start3A_196, %dma_start3A_197] : memref<1000000x64xf32, #tpu.memory_space<hbm>> -> memref<1000000x64xf32, #tpu.memory_space<hbm>>
    tpu.enqueue_indirect_dma source(%dma_start3A_198 : memref<1000000x64xf32, #tpu.memory_space<hbm>>) target(%dma_start3A_193 : memref<128x64xf32, #tpu.memory_space<vmem>>) offsets(%dma_start3A_195 : memref<128xi32, #tpu.memory_space<vmem>>) semaphore(%arg14 : memref<!tpu.dma_semaphore, #tpu.memory_space<semaphore_mem>>)
    %dma_start3A_199 = arith.constant 1 : i32
    %dma_start3A_200 = arith.constant 0 : i32
    %dma_start3A_201 = arith.constant 0 : i32
    %dma_start3A_202 = tpu.memref_slice %arg13[%dma_start3A_199, %dma_start3A_200, %dma_start3A_201] : memref<2x256x64xf32, #tpu.memory_space<vmem>> -> memref<1x256x64xf32, #tpu.memory_space<vmem>>
    %dma_start3A_203 = tpu.memref_squeeze %dma_start3A_202 : memref<1x256x64xf32, #tpu.memory_space<vmem>> -> memref<256x64xf32, #tpu.memory_space<vmem>>
    %dma_start3A_204 = arith.constant 0 : i32
    %dma_start3A_205 = arith.constant 0 : i32
    %dma_start3A_206 = tpu.memref_slice %dma_start3A_203[%dma_start3A_204, %dma_start3A_205] : memref<256x64xf32, #tpu.memory_space<vmem>> -> memref<128x64xf32, #tpu.memory_space<vmem>>
    %dma_start3A_207 = arith.constant 256 : i32
    %dma_start3A_208 = tpu.memref_slice %arg11[%dma_start3A_207] : memref<512xi32, #tpu.memory_space<vmem>> -> memref<128xi32, #tpu.memory_space<vmem>>
    %dma_start3A_209 = arith.constant 0 : i32
    %dma_start3A_210 = arith.constant 0 : i32
    %dma_start3A_211 = tpu.memref_slice %arg6[%dma_start3A_209, %dma_start3A_210] : memref<1000000x64xf32, #tpu.memory_space<hbm>> -> memref<1000000x64xf32, #tpu.memory_space<hbm>>
    tpu.enqueue_indirect_dma source(%dma_start3A_211 : memref<1000000x64xf32, #tpu.memory_space<hbm>>) target(%dma_start3A_206 : memref<128x64xf32, #tpu.memory_space<vmem>>) offsets(%dma_start3A_208 : memref<128xi32, #tpu.memory_space<vmem>>) semaphore(%arg15 : memref<!tpu.dma_semaphore, #tpu.memory_space<semaphore_mem>>)
    %dma_start3A_212 = arith.constant 1 : i32
    %dma_start3A_213 = arith.constant 0 : i32
    %dma_start3A_214 = arith.constant 0 : i32
    %dma_start3A_215 = tpu.memref_slice %arg13[%dma_start3A_212, %dma_start3A_213, %dma_start3A_214] : memref<2x256x64xf32, #tpu.memory_space<vmem>> -> memref<1x256x64xf32, #tpu.memory_space<vmem>>
    %dma_start3A_216 = tpu.memref_squeeze %dma_start3A_215 : memref<1x256x64xf32, #tpu.memory_space<vmem>> -> memref<256x64xf32, #tpu.memory_space<vmem>>
    %dma_start3A_217 = arith.constant 128 : i32
    %dma_start3A_218 = arith.constant 0 : i32
    %dma_start3A_219 = tpu.memref_slice %dma_start3A_216[%dma_start3A_217, %dma_start3A_218] : memref<256x64xf32, #tpu.memory_space<vmem>> -> memref<128x64xf32, #tpu.memory_space<vmem>>
    %dma_start3A_220 = arith.constant 384 : i32
    %dma_start3A_221 = tpu.memref_slice %arg11[%dma_start3A_220] : memref<512xi32, #tpu.memory_space<vmem>> -> memref<128xi32, #tpu.memory_space<vmem>>
    %dma_start3A_222 = arith.constant 0 : i32
    %dma_start3A_223 = arith.constant 0 : i32
    %dma_start3A_224 = tpu.memref_slice %arg6[%dma_start3A_222, %dma_start3A_223] : memref<1000000x64xf32, #tpu.memory_space<hbm>> -> memref<1000000x64xf32, #tpu.memory_space<hbm>>
    tpu.enqueue_indirect_dma source(%dma_start3A_224 : memref<1000000x64xf32, #tpu.memory_space<hbm>>) target(%dma_start3A_219 : memref<128x64xf32, #tpu.memory_space<vmem>>) offsets(%dma_start3A_221 : memref<128xi32, #tpu.memory_space<vmem>>) semaphore(%arg15 : memref<!tpu.dma_semaphore, #tpu.memory_space<semaphore_mem>>)
    %dma_wait3A_225 = arith.constant 0 : i32
    %dma_wait3A_226 = arith.constant 0 : i32
    %dma_wait3A_227 = arith.constant 0 : i32
    %dma_wait3A_228 = tpu.memref_slice %arg13[%dma_wait3A_225, %dma_wait3A_226, %dma_wait3A_227] : memref<2x256x64xf32, #tpu.memory_space<vmem>> -> memref<1x256x64xf32, #tpu.memory_space<vmem>>
    %dma_wait3A_229 = tpu.memref_squeeze %dma_wait3A_228 : memref<1x256x64xf32, #tpu.memory_space<vmem>> -> memref<256x64xf32, #tpu.memory_space<vmem>>
    %dma_wait3A_230 = arith.constant 0 : i32
    %dma_wait3A_231 = arith.constant 0 : i32
    %dma_wait3A_232 = tpu.memref_slice %dma_wait3A_229[%dma_wait3A_230, %dma_wait3A_231] : memref<256x64xf32, #tpu.memory_space<vmem>> -> memref<128x64xf32, #tpu.memory_space<vmem>>
    %dma_wait3A_233 = arith.constant 0 : i32
    %dma_wait3A_234 = tpu.memref_slice %arg11[%dma_wait3A_233] : memref<512xi32, #tpu.memory_space<vmem>> -> memref<128xi32, #tpu.memory_space<vmem>>
    %dma_wait3A_235 = arith.constant 0 : i32
    %dma_wait3A_236 = arith.constant 0 : i32
    %dma_wait3A_237 = tpu.memref_slice %arg6[%dma_wait3A_235, %dma_wait3A_236] : memref<1000000x64xf32, #tpu.memory_space<hbm>> -> memref<1000000x64xf32, #tpu.memory_space<hbm>>
    tpu.wait_indirect_dma semaphore(%arg14 : memref<!tpu.dma_semaphore, #tpu.memory_space<semaphore_mem>>) src(%dma_wait3A_237 : memref<1000000x64xf32, #tpu.memory_space<hbm>>) dst(%dma_wait3A_232 : memref<128x64xf32, #tpu.memory_space<vmem>>)
    %dma_wait3A_238 = arith.constant 0 : i32
    %dma_wait3A_239 = arith.constant 0 : i32
    %dma_wait3A_240 = arith.constant 0 : i32
    %dma_wait3A_241 = tpu.memref_slice %arg13[%dma_wait3A_238, %dma_wait3A_239, %dma_wait3A_240] : memref<2x256x64xf32, #tpu.memory_space<vmem>> -> memref<1x256x64xf32, #tpu.memory_space<vmem>>
    %dma_wait3A_242 = tpu.memref_squeeze %dma_wait3A_241 : memref<1x256x64xf32, #tpu.memory_space<vmem>> -> memref<256x64xf32, #tpu.memory_space<vmem>>
    %dma_wait3A_243 = arith.constant 128 : i32
    %dma_wait3A_244 = arith.constant 0 : i32
    %dma_wait3A_245 = tpu.memref_slice %dma_wait3A_242[%dma_wait3A_243, %dma_wait3A_244] : memref<256x64xf32, #tpu.memory_space<vmem>> -> memref<128x64xf32, #tpu.memory_space<vmem>>
    %dma_wait3A_246 = arith.constant 128 : i32
    %dma_wait3A_247 = tpu.memref_slice %arg11[%dma_wait3A_246] : memref<512xi32, #tpu.memory_space<vmem>> -> memref<128xi32, #tpu.memory_space<vmem>>
    %dma_wait3A_248 = arith.constant 0 : i32
    %dma_wait3A_249 = arith.constant 0 : i32
    %dma_wait3A_250 = tpu.memref_slice %arg6[%dma_wait3A_248, %dma_wait3A_249] : memref<1000000x64xf32, #tpu.memory_space<hbm>> -> memref<1000000x64xf32, #tpu.memory_space<hbm>>
    tpu.wait_indirect_dma semaphore(%arg14 : memref<!tpu.dma_semaphore, #tpu.memory_space<semaphore_mem>>) src(%dma_wait3A_250 : memref<1000000x64xf32, #tpu.memory_space<hbm>>) dst(%dma_wait3A_245 : memref<128x64xf32, #tpu.memory_space<vmem>>)
    %add3A_251 = arith.constant 0 : i32
    %add3A_252 = arith.addi %mul3A_172, %add3A_251 : i32
    %dma_start3A_253 = arith.constant 0 : i32
    %dma_start3A_254 = arith.constant 0 : i32
    %dma_start3A_255 = arith.constant 0 : i32
    %dma_start3A_256 = tpu.memref_slice %arg13[%dma_start3A_253, %dma_start3A_254, %dma_start3A_255] : memref<2x256x64xf32, #tpu.memory_space<vmem>> -> memref<1x256x64xf32, #tpu.memory_space<vmem>>
    %dma_start3A_257 = tpu.memref_squeeze %dma_start3A_256 : memref<1x256x64xf32, #tpu.memory_space<vmem>> -> memref<256x64xf32, #tpu.memory_space<vmem>>
    %dma_start3A_258 = arith.constant 0 : i32
    %dma_start3A_259 = tpu.memref_slice %arg8[%add3A_252, %dma_start3A_258] : memref<16384x64xf32, #tpu.memory_space<hbm>> -> memref<256x64xf32, #tpu.memory_space<hbm>>
    %dma_start3A_260 = arith.constant 0 : i32
    %dma_start3A_261 = tpu.memref_slice %arg8[%add3A_252, %dma_start3A_260] : memref<16384x64xf32, #tpu.memory_space<hbm>> -> memref<256x64xf32, #tpu.memory_space<hbm>>
    %dma_start3A_262 = arith.constant 0 : i32
    %dma_start3A_263 = arith.constant 0 : i32
    %dma_start3A_264 = tpu.memref_slice %arg13[%dma_start3A_253, %dma_start3A_262, %dma_start3A_263] : memref<2x256x64xf32, #tpu.memory_space<vmem>> -> memref<1x256x64xf32, #tpu.memory_space<vmem>>
    %dma_start3A_265 = tpu.memref_squeeze %dma_start3A_264 : memref<1x256x64xf32, #tpu.memory_space<vmem>> -> memref<256x64xf32, #tpu.memory_space<vmem>>
    tpu.enqueue_dma source(%dma_start3A_265 : memref<256x64xf32, #tpu.memory_space<vmem>>) target(%dma_start3A_261 : memref<256x64xf32, #tpu.memory_space<hbm>>) target_semaphore(%arg16 : memref<!tpu.dma_semaphore, #tpu.memory_space<semaphore_mem>>)
    %dma_wait3A_266 = arith.constant 1 : i32
    %dma_wait3A_267 = arith.constant 0 : i32
    %dma_wait3A_268 = arith.constant 0 : i32
    %dma_wait3A_269 = tpu.memref_slice %arg13[%dma_wait3A_266, %dma_wait3A_267, %dma_wait3A_268] : memref<2x256x64xf32, #tpu.memory_space<vmem>> -> memref<1x256x64xf32, #tpu.memory_space<vmem>>
    %dma_wait3A_270 = tpu.memref_squeeze %dma_wait3A_269 : memref<1x256x64xf32, #tpu.memory_space<vmem>> -> memref<256x64xf32, #tpu.memory_space<vmem>>
    %dma_wait3A_271 = arith.constant 0 : i32
    %dma_wait3A_272 = arith.constant 0 : i32
    %dma_wait3A_273 = tpu.memref_slice %dma_wait3A_270[%dma_wait3A_271, %dma_wait3A_272] : memref<256x64xf32, #tpu.memory_space<vmem>> -> memref<128x64xf32, #tpu.memory_space<vmem>>
    %dma_wait3A_274 = arith.constant 256 : i32
    %dma_wait3A_275 = tpu.memref_slice %arg11[%dma_wait3A_274] : memref<512xi32, #tpu.memory_space<vmem>> -> memref<128xi32, #tpu.memory_space<vmem>>
    %dma_wait3A_276 = arith.constant 0 : i32
    %dma_wait3A_277 = arith.constant 0 : i32
    %dma_wait3A_278 = tpu.memref_slice %arg6[%dma_wait3A_276, %dma_wait3A_277] : memref<1000000x64xf32, #tpu.memory_space<hbm>> -> memref<1000000x64xf32, #tpu.memory_space<hbm>>
    tpu.wait_indirect_dma semaphore(%arg15 : memref<!tpu.dma_semaphore, #tpu.memory_space<semaphore_mem>>) src(%dma_wait3A_278 : memref<1000000x64xf32, #tpu.memory_space<hbm>>) dst(%dma_wait3A_273 : memref<128x64xf32, #tpu.memory_space<vmem>>)
    %dma_wait3A_279 = arith.constant 1 : i32
    %dma_wait3A_280 = arith.constant 0 : i32
    %dma_wait3A_281 = arith.constant 0 : i32
    %dma_wait3A_282 = tpu.memref_slice %arg13[%dma_wait3A_279, %dma_wait3A_280, %dma_wait3A_281] : memref<2x256x64xf32, #tpu.memory_space<vmem>> -> memref<1x256x64xf32, #tpu.memory_space<vmem>>
    %dma_wait3A_283 = tpu.memref_squeeze %dma_wait3A_282 : memref<1x256x64xf32, #tpu.memory_space<vmem>> -> memref<256x64xf32, #tpu.memory_space<vmem>>
    %dma_wait3A_284 = arith.constant 128 : i32
    %dma_wait3A_285 = arith.constant 0 : i32
    %dma_wait3A_286 = tpu.memref_slice %dma_wait3A_283[%dma_wait3A_284, %dma_wait3A_285] : memref<256x64xf32, #tpu.memory_space<vmem>> -> memref<128x64xf32, #tpu.memory_space<vmem>>
    %dma_wait3A_287 = arith.constant 384 : i32
    %dma_wait3A_288 = tpu.memref_slice %arg11[%dma_wait3A_287] : memref<512xi32, #tpu.memory_space<vmem>> -> memref<128xi32, #tpu.memory_space<vmem>>
    %dma_wait3A_289 = arith.constant 0 : i32
    %dma_wait3A_290 = arith.constant 0 : i32
    %dma_wait3A_291 = tpu.memref_slice %arg6[%dma_wait3A_289, %dma_wait3A_290] : memref<1000000x64xf32, #tpu.memory_space<hbm>> -> memref<1000000x64xf32, #tpu.memory_space<hbm>>
    tpu.wait_indirect_dma semaphore(%arg15 : memref<!tpu.dma_semaphore, #tpu.memory_space<semaphore_mem>>) src(%dma_wait3A_291 : memref<1000000x64xf32, #tpu.memory_space<hbm>>) dst(%dma_wait3A_286 : memref<128x64xf32, #tpu.memory_space<vmem>>)
    %add3A_292 = arith.constant 256 : i32
    %add3A_293 = arith.addi %mul3A_172, %add3A_292 : i32
    %dma_start3A_294 = arith.constant 1 : i32
    %dma_start3A_295 = arith.constant 0 : i32
    %dma_start3A_296 = arith.constant 0 : i32
    %dma_start3A_297 = tpu.memref_slice %arg13[%dma_start3A_294, %dma_start3A_295, %dma_start3A_296] : memref<2x256x64xf32, #tpu.memory_space<vmem>> -> memref<1x256x64xf32, #tpu.memory_space<vmem>>
    %dma_start3A_298 = tpu.memref_squeeze %dma_start3A_297 : memref<1x256x64xf32, #tpu.memory_space<vmem>> -> memref<256x64xf32, #tpu.memory_space<vmem>>
    %dma_start3A_299 = arith.constant 0 : i32
    %dma_start3A_300 = tpu.memref_slice %arg8[%add3A_293, %dma_start3A_299] : memref<16384x64xf32, #tpu.memory_space<hbm>> -> memref<256x64xf32, #tpu.memory_space<hbm>>
    %dma_start3A_301 = arith.constant 0 : i32
    %dma_start3A_302 = tpu.memref_slice %arg8[%add3A_293, %dma_start3A_301] : memref<16384x64xf32, #tpu.memory_space<hbm>> -> memref<256x64xf32, #tpu.memory_space<hbm>>
    %dma_start3A_303 = arith.constant 0 : i32
    %dma_start3A_304 = arith.constant 0 : i32
    %dma_start3A_305 = tpu.memref_slice %arg13[%dma_start3A_294, %dma_start3A_303, %dma_start3A_304] : memref<2x256x64xf32, #tpu.memory_space<vmem>> -> memref<1x256x64xf32, #tpu.memory_space<vmem>>
    %dma_start3A_306 = tpu.memref_squeeze %dma_start3A_305 : memref<1x256x64xf32, #tpu.memory_space<vmem>> -> memref<256x64xf32, #tpu.memory_space<vmem>>
    tpu.enqueue_dma source(%dma_start3A_306 : memref<256x64xf32, #tpu.memory_space<vmem>>) target(%dma_start3A_302 : memref<256x64xf32, #tpu.memory_space<hbm>>) target_semaphore(%arg17 : memref<!tpu.dma_semaphore, #tpu.memory_space<semaphore_mem>>)
    %add3A_307 = arith.constant 0 : i32
    %add3A_308 = arith.addi %mul3A_172, %add3A_307 : i32
    %dma_wait3A_309 = arith.constant 0 : i32
    %dma_wait3A_310 = arith.constant 0 : i32
    %dma_wait3A_311 = arith.constant 0 : i32
    %dma_wait3A_312 = tpu.memref_slice %arg13[%dma_wait3A_309, %dma_wait3A_310, %dma_wait3A_311] : memref<2x256x64xf32, #tpu.memory_space<vmem>> -> memref<1x256x64xf32, #tpu.memory_space<vmem>>
    %dma_wait3A_313 = tpu.memref_squeeze %dma_wait3A_312 : memref<1x256x64xf32, #tpu.memory_space<vmem>> -> memref<256x64xf32, #tpu.memory_space<vmem>>
    %dma_wait3A_314 = arith.constant 0 : i32
    %dma_wait3A_315 = tpu.memref_slice %arg8[%add3A_308, %dma_wait3A_314] : memref<16384x64xf32, #tpu.memory_space<hbm>> -> memref<256x64xf32, #tpu.memory_space<hbm>>
    %dma_wait3A_316 = arith.constant 0 : i32
    %dma_wait3A_317 = tpu.memref_slice %arg8[%add3A_308, %dma_wait3A_316] : memref<16384x64xf32, #tpu.memory_space<hbm>> -> memref<256x64xf32, #tpu.memory_space<hbm>>
    %dma_wait3A_318 = arith.constant 0 : i32
    %dma_wait3A_319 = arith.constant 0 : i32
    %dma_wait3A_320 = tpu.memref_slice %arg13[%dma_wait3A_309, %dma_wait3A_318, %dma_wait3A_319] : memref<2x256x64xf32, #tpu.memory_space<vmem>> -> memref<1x256x64xf32, #tpu.memory_space<vmem>>
    %dma_wait3A_321 = tpu.memref_squeeze %dma_wait3A_320 : memref<1x256x64xf32, #tpu.memory_space<vmem>> -> memref<256x64xf32, #tpu.memory_space<vmem>>
    tpu.wait_dma2 semaphore(%arg16 : memref<!tpu.dma_semaphore, #tpu.memory_space<semaphore_mem>>) src(%dma_wait3A_321 : memref<256x64xf32, #tpu.memory_space<vmem>>) dst(%dma_wait3A_317 : memref<256x64xf32, #tpu.memory_space<hbm>>)
    %add3A_322 = arith.constant 256 : i32
    %add3A_323 = arith.addi %mul3A_172, %add3A_322 : i32
    %dma_wait3A_324 = arith.constant 1 : i32
    %dma_wait3A_325 = arith.constant 0 : i32
    %dma_wait3A_326 = arith.constant 0 : i32
    %dma_wait3A_327 = tpu.memref_slice %arg13[%dma_wait3A_324, %dma_wait3A_325, %dma_wait3A_326] : memref<2x256x64xf32, #tpu.memory_space<vmem>> -> memref<1x256x64xf32, #tpu.memory_space<vmem>>
    %dma_wait3A_328 = tpu.memref_squeeze %dma_wait3A_327 : memref<1x256x64xf32, #tpu.memory_space<vmem>> -> memref<256x64xf32, #tpu.memory_space<vmem>>
    %dma_wait3A_329 = arith.constant 0 : i32
    %dma_wait3A_330 = tpu.memref_slice %arg8[%add3A_323, %dma_wait3A_329] : memref<16384x64xf32, #tpu.memory_space<hbm>> -> memref<256x64xf32, #tpu.memory_space<hbm>>
    %dma_wait3A_331 = arith.constant 0 : i32
    %dma_wait3A_332 = tpu.memref_slice %arg8[%add3A_323, %dma_wait3A_331] : memref<16384x64xf32, #tpu.memory_space<hbm>> -> memref<256x64xf32, #tpu.memory_space<hbm>>
    %dma_wait3A_333 = arith.constant 0 : i32
    %dma_wait3A_334 = arith.constant 0 : i32
    %dma_wait3A_335 = tpu.memref_slice %arg13[%dma_wait3A_324, %dma_wait3A_333, %dma_wait3A_334] : memref<2x256x64xf32, #tpu.memory_space<vmem>> -> memref<1x256x64xf32, #tpu.memory_space<vmem>>
    %dma_wait3A_336 = tpu.memref_squeeze %dma_wait3A_335 : memref<1x256x64xf32, #tpu.memory_space<vmem>> -> memref<256x64xf32, #tpu.memory_space<vmem>>
    tpu.wait_dma2 semaphore(%arg17 : memref<!tpu.dma_semaphore, #tpu.memory_space<semaphore_mem>>) src(%dma_wait3A_336 : memref<256x64xf32, #tpu.memory_space<vmem>>) dst(%dma_wait3A_332 : memref<256x64xf32, #tpu.memory_space<hbm>>)
    %mul3A_337 = arith.constant 10240 : i32
    %mul3A_338 = arith.muli %add3A, %mul3A_337 : i32
    %dma_start3A_339 = arith.constant 0 : i32
    %dma_start3A_340 = arith.constant 0 : i32
    %dma_start3A_341 = arith.constant 0 : i32
    %dma_start3A_342 = tpu.memref_slice %arg13[%dma_start3A_339, %dma_start3A_340, %dma_start3A_341] : memref<2x256x64xf32, #tpu.memory_space<vmem>> -> memref<1x256x64xf32, #tpu.memory_space<vmem>>
    %dma_start3A_343 = tpu.memref_squeeze %dma_start3A_342 : memref<1x256x64xf32, #tpu.memory_space<vmem>> -> memref<256x64xf32, #tpu.memory_space<vmem>>
    %dma_start3A_344 = arith.constant 0 : i32
    %dma_start3A_345 = arith.constant 0 : i32
    %dma_start3A_346 = tpu.memref_slice %dma_start3A_343[%dma_start3A_344, %dma_start3A_345] : memref<256x64xf32, #tpu.memory_space<vmem>> -> memref<128x64xf32, #tpu.memory_space<vmem>>
    %dma_start3A_347 = arith.constant 0 : i32
    %dma_start3A_348 = tpu.memref_slice %arg12[%dma_start3A_347] : memref<10240xi32, #tpu.memory_space<vmem>> -> memref<128xi32, #tpu.memory_space<vmem>>
    %dma_start3A_349 = arith.constant 0 : i32
    %dma_start3A_350 = arith.constant 0 : i32
    %dma_start3A_351 = tpu.memref_slice %arg6[%dma_start3A_349, %dma_start3A_350] : memref<1000000x64xf32, #tpu.memory_space<hbm>> -> memref<1000000x64xf32, #tpu.memory_space<hbm>>
    tpu.enqueue_indirect_dma source(%dma_start3A_351 : memref<1000000x64xf32, #tpu.memory_space<hbm>>) target(%dma_start3A_346 : memref<128x64xf32, #tpu.memory_space<vmem>>) offsets(%dma_start3A_348 : memref<128xi32, #tpu.memory_space<vmem>>) semaphore(%arg14 : memref<!tpu.dma_semaphore, #tpu.memory_space<semaphore_mem>>)
    %dma_start3A_352 = arith.constant 0 : i32
    %dma_start3A_353 = arith.constant 0 : i32
    %dma_start3A_354 = arith.constant 0 : i32
    %dma_start3A_355 = tpu.memref_slice %arg13[%dma_start3A_352, %dma_start3A_353, %dma_start3A_354] : memref<2x256x64xf32, #tpu.memory_space<vmem>> -> memref<1x256x64xf32, #tpu.memory_space<vmem>>
    %dma_start3A_356 = tpu.memref_squeeze %dma_start3A_355 : memref<1x256x64xf32, #tpu.memory_space<vmem>> -> memref<256x64xf32, #tpu.memory_space<vmem>>
    %dma_start3A_357 = arith.constant 128 : i32
    %dma_start3A_358 = arith.constant 0 : i32
    %dma_start3A_359 = tpu.memref_slice %dma_start3A_356[%dma_start3A_357, %dma_start3A_358] : memref<256x64xf32, #tpu.memory_space<vmem>> -> memref<128x64xf32, #tpu.memory_space<vmem>>
    %dma_start3A_360 = arith.constant 128 : i32
    %dma_start3A_361 = tpu.memref_slice %arg12[%dma_start3A_360] : memref<10240xi32, #tpu.memory_space<vmem>> -> memref<128xi32, #tpu.memory_space<vmem>>
    %dma_start3A_362 = arith.constant 0 : i32
    %dma_start3A_363 = arith.constant 0 : i32
    %dma_start3A_364 = tpu.memref_slice %arg6[%dma_start3A_362, %dma_start3A_363] : memref<1000000x64xf32, #tpu.memory_space<hbm>> -> memref<1000000x64xf32, #tpu.memory_space<hbm>>
    tpu.enqueue_indirect_dma source(%dma_start3A_364 : memref<1000000x64xf32, #tpu.memory_space<hbm>>) target(%dma_start3A_359 : memref<128x64xf32, #tpu.memory_space<vmem>>) offsets(%dma_start3A_361 : memref<128xi32, #tpu.memory_space<vmem>>) semaphore(%arg14 : memref<!tpu.dma_semaphore, #tpu.memory_space<semaphore_mem>>)
    %dma_start3A_365 = arith.constant 1 : i32
    %dma_start3A_366 = arith.constant 0 : i32
    %dma_start3A_367 = arith.constant 0 : i32
    %dma_start3A_368 = tpu.memref_slice %arg13[%dma_start3A_365, %dma_start3A_366, %dma_start3A_367] : memref<2x256x64xf32, #tpu.memory_space<vmem>> -> memref<1x256x64xf32, #tpu.memory_space<vmem>>
    %dma_start3A_369 = tpu.memref_squeeze %dma_start3A_368 : memref<1x256x64xf32, #tpu.memory_space<vmem>> -> memref<256x64xf32, #tpu.memory_space<vmem>>
    %dma_start3A_370 = arith.constant 0 : i32
    %dma_start3A_371 = arith.constant 0 : i32
    %dma_start3A_372 = tpu.memref_slice %dma_start3A_369[%dma_start3A_370, %dma_start3A_371] : memref<256x64xf32, #tpu.memory_space<vmem>> -> memref<128x64xf32, #tpu.memory_space<vmem>>
    %dma_start3A_373 = arith.constant 256 : i32
    %dma_start3A_374 = tpu.memref_slice %arg12[%dma_start3A_373] : memref<10240xi32, #tpu.memory_space<vmem>> -> memref<128xi32, #tpu.memory_space<vmem>>
    %dma_start3A_375 = arith.constant 0 : i32
    %dma_start3A_376 = arith.constant 0 : i32
    %dma_start3A_377 = tpu.memref_slice %arg6[%dma_start3A_375, %dma_start3A_376] : memref<1000000x64xf32, #tpu.memory_space<hbm>> -> memref<1000000x64xf32, #tpu.memory_space<hbm>>
    tpu.enqueue_indirect_dma source(%dma_start3A_377 : memref<1000000x64xf32, #tpu.memory_space<hbm>>) target(%dma_start3A_372 : memref<128x64xf32, #tpu.memory_space<vmem>>) offsets(%dma_start3A_374 : memref<128xi32, #tpu.memory_space<vmem>>) semaphore(%arg15 : memref<!tpu.dma_semaphore, #tpu.memory_space<semaphore_mem>>)
    %dma_start3A_378 = arith.constant 1 : i32
    %dma_start3A_379 = arith.constant 0 : i32
    %dma_start3A_380 = arith.constant 0 : i32
    %dma_start3A_381 = tpu.memref_slice %arg13[%dma_start3A_378, %dma_start3A_379, %dma_start3A_380] : memref<2x256x64xf32, #tpu.memory_space<vmem>> -> memref<1x256x64xf32, #tpu.memory_space<vmem>>
    %dma_start3A_382 = tpu.memref_squeeze %dma_start3A_381 : memref<1x256x64xf32, #tpu.memory_space<vmem>> -> memref<256x64xf32, #tpu.memory_space<vmem>>
    %dma_start3A_383 = arith.constant 128 : i32
    %dma_start3A_384 = arith.constant 0 : i32
    %dma_start3A_385 = tpu.memref_slice %dma_start3A_382[%dma_start3A_383, %dma_start3A_384] : memref<256x64xf32, #tpu.memory_space<vmem>> -> memref<128x64xf32, #tpu.memory_space<vmem>>
    %dma_start3A_386 = arith.constant 384 : i32
    %dma_start3A_387 = tpu.memref_slice %arg12[%dma_start3A_386] : memref<10240xi32, #tpu.memory_space<vmem>> -> memref<128xi32, #tpu.memory_space<vmem>>
    %dma_start3A_388 = arith.constant 0 : i32
    %dma_start3A_389 = arith.constant 0 : i32
    %dma_start3A_390 = tpu.memref_slice %arg6[%dma_start3A_388, %dma_start3A_389] : memref<1000000x64xf32, #tpu.memory_space<hbm>> -> memref<1000000x64xf32, #tpu.memory_space<hbm>>
    tpu.enqueue_indirect_dma source(%dma_start3A_390 : memref<1000000x64xf32, #tpu.memory_space<hbm>>) target(%dma_start3A_385 : memref<128x64xf32, #tpu.memory_space<vmem>>) offsets(%dma_start3A_387 : memref<128xi32, #tpu.memory_space<vmem>>) semaphore(%arg15 : memref<!tpu.dma_semaphore, #tpu.memory_space<semaphore_mem>>)
    %scan3A = arith.constant 0 : i32
    %scan3A_391 = arith.constant 0 : i32
    %scan3A_392 = arith.constant 20 : i32
    %scan3A_393 = arith.addi %scan3A_391, %scan3A_392 : i32
    %scan3A_394 = arith.constant 1 : i32
    %scan3A_395 = scf.for %scan3A_427 = %scan3A_391 to %scan3A_393 step %scan3A_394 iter_args(%scan3A_428 = %scan3A) -> (i32)  : i32 {
      %mul3A_429 = arith.constant 2 : i32
      %mul3A_430 = arith.muli %scan3A_427, %mul3A_429 : i32
      %add3A_431 = arith.constant 0 : i32
      %add3A_432 = arith.addi %mul3A_430, %add3A_431 : i32
      %mul3A_433 = arith.constant 256 : i32
      %mul3A_434 = arith.muli %add3A_432, %mul3A_433 : i32
      %add3A_435 = arith.constant 0 : i32
      %add3A_436 = arith.addi %mul3A_434, %add3A_435 : i32
      %mul3A_437 = arith.constant 256 : i32
      %mul3A_438 = arith.muli %add3A_432, %mul3A_437 : i32
      %add3A_439 = arith.constant 128 : i32
      %add3A_440 = arith.addi %mul3A_438, %add3A_439 : i32
      %dma_wait3A_441 = arith.constant 0 : i32
      %dma_wait3A_442 = arith.constant 0 : i32
      %dma_wait3A_443 = arith.constant 0 : i32
      %dma_wait3A_444 = tpu.memref_slice %arg13[%dma_wait3A_441, %dma_wait3A_442, %dma_wait3A_443] : memref<2x256x64xf32, #tpu.memory_space<vmem>> -> memref<1x256x64xf32, #tpu.memory_space<vmem>>
      %dma_wait3A_445 = tpu.memref_squeeze %dma_wait3A_444 : memref<1x256x64xf32, #tpu.memory_space<vmem>> -> memref<256x64xf32, #tpu.memory_space<vmem>>
      %dma_wait3A_446 = arith.constant 0 : i32
      %dma_wait3A_447 = arith.constant 0 : i32
      %dma_wait3A_448 = tpu.memref_slice %dma_wait3A_445[%dma_wait3A_446, %dma_wait3A_447] : memref<256x64xf32, #tpu.memory_space<vmem>> -> memref<128x64xf32, #tpu.memory_space<vmem>>
      %dma_wait3A_449 = tpu.memref_slice %arg12[%add3A_436] : memref<10240xi32, #tpu.memory_space<vmem>> -> memref<128xi32, #tpu.memory_space<vmem>>
      %dma_wait3A_450 = arith.constant 0 : i32
      %dma_wait3A_451 = arith.constant 0 : i32
      %dma_wait3A_452 = tpu.memref_slice %arg6[%dma_wait3A_450, %dma_wait3A_451] : memref<1000000x64xf32, #tpu.memory_space<hbm>> -> memref<1000000x64xf32, #tpu.memory_space<hbm>>
      tpu.wait_indirect_dma semaphore(%arg14 : memref<!tpu.dma_semaphore, #tpu.memory_space<semaphore_mem>>) src(%dma_wait3A_452 : memref<1000000x64xf32, #tpu.memory_space<hbm>>) dst(%dma_wait3A_448 : memref<128x64xf32, #tpu.memory_space<vmem>>)
      %dma_wait3A_453 = arith.constant 0 : i32
      %dma_wait3A_454 = arith.constant 0 : i32
      %dma_wait3A_455 = arith.constant 0 : i32
      %dma_wait3A_456 = tpu.memref_slice %arg13[%dma_wait3A_453, %dma_wait3A_454, %dma_wait3A_455] : memref<2x256x64xf32, #tpu.memory_space<vmem>> -> memref<1x256x64xf32, #tpu.memory_space<vmem>>
      %dma_wait3A_457 = tpu.memref_squeeze %dma_wait3A_456 : memref<1x256x64xf32, #tpu.memory_space<vmem>> -> memref<256x64xf32, #tpu.memory_space<vmem>>
      %dma_wait3A_458 = arith.constant 128 : i32
      %dma_wait3A_459 = arith.constant 0 : i32
      %dma_wait3A_460 = tpu.memref_slice %dma_wait3A_457[%dma_wait3A_458, %dma_wait3A_459] : memref<256x64xf32, #tpu.memory_space<vmem>> -> memref<128x64xf32, #tpu.memory_space<vmem>>
      %dma_wait3A_461 = tpu.memref_slice %arg12[%add3A_440] : memref<10240xi32, #tpu.memory_space<vmem>> -> memref<128xi32, #tpu.memory_space<vmem>>
      %dma_wait3A_462 = arith.constant 0 : i32
      %dma_wait3A_463 = arith.constant 0 : i32
      %dma_wait3A_464 = tpu.memref_slice %arg6[%dma_wait3A_462, %dma_wait3A_463] : memref<1000000x64xf32, #tpu.memory_space<hbm>> -> memref<1000000x64xf32, #tpu.memory_space<hbm>>
      tpu.wait_indirect_dma semaphore(%arg14 : memref<!tpu.dma_semaphore, #tpu.memory_space<semaphore_mem>>) src(%dma_wait3A_464 : memref<1000000x64xf32, #tpu.memory_space<hbm>>) dst(%dma_wait3A_460 : memref<128x64xf32, #tpu.memory_space<vmem>>)
      %mul3A_465 = arith.constant 256 : i32
      %mul3A_466 = arith.muli %add3A_432, %mul3A_465 : i32
      %add3A_467 = arith.addi %mul3A_338, %mul3A_466 : i32
      %dma_start3A_468 = arith.constant 0 : i32
      %dma_start3A_469 = arith.constant 0 : i32
      %dma_start3A_470 = arith.constant 0 : i32
      %dma_start3A_471 = tpu.memref_slice %arg13[%dma_start3A_468, %dma_start3A_469, %dma_start3A_470] : memref<2x256x64xf32, #tpu.memory_space<vmem>> -> memref<1x256x64xf32, #tpu.memory_space<vmem>>
      %dma_start3A_472 = tpu.memref_squeeze %dma_start3A_471 : memref<1x256x64xf32, #tpu.memory_space<vmem>> -> memref<256x64xf32, #tpu.memory_space<vmem>>
      %dma_start3A_473 = arith.constant 0 : i32
      %dma_start3A_474 = tpu.memref_slice %arg9[%add3A_467, %dma_start3A_473] : memref<327680x64xf32, #tpu.memory_space<hbm>> -> memref<256x64xf32, #tpu.memory_space<hbm>>
      %dma_start3A_475 = arith.constant 0 : i32
      %dma_start3A_476 = tpu.memref_slice %arg9[%add3A_467, %dma_start3A_475] : memref<327680x64xf32, #tpu.memory_space<hbm>> -> memref<256x64xf32, #tpu.memory_space<hbm>>
      %dma_start3A_477 = arith.constant 0 : i32
      %dma_start3A_478 = arith.constant 0 : i32
      %dma_start3A_479 = tpu.memref_slice %arg13[%dma_start3A_468, %dma_start3A_477, %dma_start3A_478] : memref<2x256x64xf32, #tpu.memory_space<vmem>> -> memref<1x256x64xf32, #tpu.memory_space<vmem>>
      %dma_start3A_480 = tpu.memref_squeeze %dma_start3A_479 : memref<1x256x64xf32, #tpu.memory_space<vmem>> -> memref<256x64xf32, #tpu.memory_space<vmem>>
      tpu.enqueue_dma source(%dma_start3A_480 : memref<256x64xf32, #tpu.memory_space<vmem>>) target(%dma_start3A_476 : memref<256x64xf32, #tpu.memory_space<hbm>>) target_semaphore(%arg16 : memref<!tpu.dma_semaphore, #tpu.memory_space<semaphore_mem>>)
      %add3A_481 = arith.constant 2 : i32
      %add3A_482 = arith.addi %add3A_432, %add3A_481 : i32
      %lt3A = arith.constant 40 : i32
      %lt3A_483 = arith.cmpi slt, %add3A_482, %lt3A : i32
      %convert_element_type3A = arith.extui %lt3A_483 : i1 to i32
      %cond3A = arith.constant 0 : i32
      %cond3A_484 = arith.constant 0 : i32
      %cond3A_485 = arith.cmpi ne, %convert_element_type3A, %cond3A_484 : i32
      scf.if %cond3A_485 {
        %dma_wait3A_547 = arith.constant 0 : i32
        %dma_wait3A_548 = arith.constant 0 : i32
        %dma_wait3A_549 = tpu.memref_slice %arg13[%cond3A, %dma_wait3A_547, %dma_wait3A_548] : memref<2x256x64xf32, #tpu.memory_space<vmem>> -> memref<1x256x64xf32, #tpu.memory_space<vmem>>
        %dma_wait3A_550 = tpu.memref_squeeze %dma_wait3A_549 : memref<1x256x64xf32, #tpu.memory_space<vmem>> -> memref<256x64xf32, #tpu.memory_space<vmem>>
        %dma_wait3A_551 = arith.constant 0 : i32
        %dma_wait3A_552 = tpu.memref_slice %arg9[%add3A_467, %dma_wait3A_551] : memref<327680x64xf32, #tpu.memory_space<hbm>> -> memref<256x64xf32, #tpu.memory_space<hbm>>
        %dma_wait3A_553 = arith.constant 0 : i32
        %dma_wait3A_554 = tpu.memref_slice %arg9[%add3A_467, %dma_wait3A_553] : memref<327680x64xf32, #tpu.memory_space<hbm>> -> memref<256x64xf32, #tpu.memory_space<hbm>>
        %dma_wait3A_555 = arith.constant 0 : i32
        %dma_wait3A_556 = arith.constant 0 : i32
        %dma_wait3A_557 = tpu.memref_slice %arg13[%cond3A, %dma_wait3A_555, %dma_wait3A_556] : memref<2x256x64xf32, #tpu.memory_space<vmem>> -> memref<1x256x64xf32, #tpu.memory_space<vmem>>
        %dma_wait3A_558 = tpu.memref_squeeze %dma_wait3A_557 : memref<1x256x64xf32, #tpu.memory_space<vmem>> -> memref<256x64xf32, #tpu.memory_space<vmem>>
        tpu.wait_dma2 semaphore(%arg16 : memref<!tpu.dma_semaphore, #tpu.memory_space<semaphore_mem>>) src(%dma_wait3A_558 : memref<256x64xf32, #tpu.memory_space<vmem>>) dst(%dma_wait3A_554 : memref<256x64xf32, #tpu.memory_space<hbm>>)
        %add3A_559 = arith.constant 2 : i32
        %add3A_560 = arith.addi %add3A_432, %add3A_559 : i32
        %mul3A_561 = arith.constant 256 : i32
        %mul3A_562 = arith.muli %add3A_560, %mul3A_561 : i32
        %add3A_563 = arith.constant 0 : i32
        %add3A_564 = arith.addi %mul3A_562, %add3A_563 : i32
        %mul3A_565 = arith.constant 256 : i32
        %mul3A_566 = arith.muli %add3A_560, %mul3A_565 : i32
        %add3A_567 = arith.constant 128 : i32
        %add3A_568 = arith.addi %mul3A_566, %add3A_567 : i32
        %dma_start3A_569 = arith.constant 0 : i32
        %dma_start3A_570 = arith.constant 0 : i32
        %dma_start3A_571 = arith.constant 0 : i32
        %dma_start3A_572 = tpu.memref_slice %arg13[%dma_start3A_569, %dma_start3A_570, %dma_start3A_571] : memref<2x256x64xf32, #tpu.memory_space<vmem>> -> memref<1x256x64xf32, #tpu.memory_space<vmem>>
        %dma_start3A_573 = tpu.memref_squeeze %dma_start3A_572 : memref<1x256x64xf32, #tpu.memory_space<vmem>> -> memref<256x64xf32, #tpu.memory_space<vmem>>
        %dma_start3A_574 = arith.constant 0 : i32
        %dma_start3A_575 = arith.constant 0 : i32
        %dma_start3A_576 = tpu.memref_slice %dma_start3A_573[%dma_start3A_574, %dma_start3A_575] : memref<256x64xf32, #tpu.memory_space<vmem>> -> memref<128x64xf32, #tpu.memory_space<vmem>>
        %dma_start3A_577 = tpu.memref_slice %arg12[%add3A_564] : memref<10240xi32, #tpu.memory_space<vmem>> -> memref<128xi32, #tpu.memory_space<vmem>>
        %dma_start3A_578 = arith.constant 0 : i32
        %dma_start3A_579 = arith.constant 0 : i32
        %dma_start3A_580 = tpu.memref_slice %arg6[%dma_start3A_578, %dma_start3A_579] : memref<1000000x64xf32, #tpu.memory_space<hbm>> -> memref<1000000x64xf32, #tpu.memory_space<hbm>>
        tpu.enqueue_indirect_dma source(%dma_start3A_580 : memref<1000000x64xf32, #tpu.memory_space<hbm>>) target(%dma_start3A_576 : memref<128x64xf32, #tpu.memory_space<vmem>>) offsets(%dma_start3A_577 : memref<128xi32, #tpu.memory_space<vmem>>) semaphore(%arg14 : memref<!tpu.dma_semaphore, #tpu.memory_space<semaphore_mem>>)
        %dma_start3A_581 = arith.constant 0 : i32
        %dma_start3A_582 = arith.constant 0 : i32
        %dma_start3A_583 = arith.constant 0 : i32
        %dma_start3A_584 = tpu.memref_slice %arg13[%dma_start3A_581, %dma_start3A_582, %dma_start3A_583] : memref<2x256x64xf32, #tpu.memory_space<vmem>> -> memref<1x256x64xf32, #tpu.memory_space<vmem>>
        %dma_start3A_585 = tpu.memref_squeeze %dma_start3A_584 : memref<1x256x64xf32, #tpu.memory_space<vmem>> -> memref<256x64xf32, #tpu.memory_space<vmem>>
        %dma_start3A_586 = arith.constant 128 : i32
        %dma_start3A_587 = arith.constant 0 : i32
        %dma_start3A_588 = tpu.memref_slice %dma_start3A_585[%dma_start3A_586, %dma_start3A_587] : memref<256x64xf32, #tpu.memory_space<vmem>> -> memref<128x64xf32, #tpu.memory_space<vmem>>
        %dma_start3A_589 = tpu.memref_slice %arg12[%add3A_568] : memref<10240xi32, #tpu.memory_space<vmem>> -> memref<128xi32, #tpu.memory_space<vmem>>
        %dma_start3A_590 = arith.constant 0 : i32
        %dma_start3A_591 = arith.constant 0 : i32
        %dma_start3A_592 = tpu.memref_slice %arg6[%dma_start3A_590, %dma_start3A_591] : memref<1000000x64xf32, #tpu.memory_space<hbm>> -> memref<1000000x64xf32, #tpu.memory_space<hbm>>
        tpu.enqueue_indirect_dma source(%dma_start3A_592 : memref<1000000x64xf32, #tpu.memory_space<hbm>>) target(%dma_start3A_588 : memref<128x64xf32, #tpu.memory_space<vmem>>) offsets(%dma_start3A_589 : memref<128xi32, #tpu.memory_space<vmem>>) semaphore(%arg14 : memref<!tpu.dma_semaphore, #tpu.memory_space<semaphore_mem>>)
      } else {
      }
      %mul3A_486 = arith.constant 2 : i32
      %mul3A_487 = arith.muli %scan3A_427, %mul3A_486 : i32
      %add3A_488 = arith.constant 1 : i32
      %add3A_489 = arith.addi %mul3A_487, %add3A_488 : i32
      %mul3A_490 = arith.constant 256 : i32
      %mul3A_491 = arith.muli %add3A_489, %mul3A_490 : i32
      %add3A_492 = arith.constant 0 : i32
      %add3A_493 = arith.addi %mul3A_491, %add3A_492 : i32
      %mul3A_494 = arith.constant 256 : i32
      %mul3A_495 = arith.muli %add3A_489, %mul3A_494 : i32
      %add3A_496 = arith.constant 128 : i32
      %add3A_497 = arith.addi %mul3A_495, %add3A_496 : i32
      %dma_wait3A_498 = arith.constant 1 : i32
      %dma_wait3A_499 = arith.constant 0 : i32
      %dma_wait3A_500 = arith.constant 0 : i32
      %dma_wait3A_501 = tpu.memref_slice %arg13[%dma_wait3A_498, %dma_wait3A_499, %dma_wait3A_500] : memref<2x256x64xf32, #tpu.memory_space<vmem>> -> memref<1x256x64xf32, #tpu.memory_space<vmem>>
      %dma_wait3A_502 = tpu.memref_squeeze %dma_wait3A_501 : memref<1x256x64xf32, #tpu.memory_space<vmem>> -> memref<256x64xf32, #tpu.memory_space<vmem>>
      %dma_wait3A_503 = arith.constant 0 : i32
      %dma_wait3A_504 = arith.constant 0 : i32
      %dma_wait3A_505 = tpu.memref_slice %dma_wait3A_502[%dma_wait3A_503, %dma_wait3A_504] : memref<256x64xf32, #tpu.memory_space<vmem>> -> memref<128x64xf32, #tpu.memory_space<vmem>>
      %dma_wait3A_506 = tpu.memref_slice %arg12[%add3A_493] : memref<10240xi32, #tpu.memory_space<vmem>> -> memref<128xi32, #tpu.memory_space<vmem>>
      %dma_wait3A_507 = arith.constant 0 : i32
      %dma_wait3A_508 = arith.constant 0 : i32
      %dma_wait3A_509 = tpu.memref_slice %arg6[%dma_wait3A_507, %dma_wait3A_508] : memref<1000000x64xf32, #tpu.memory_space<hbm>> -> memref<1000000x64xf32, #tpu.memory_space<hbm>>
      tpu.wait_indirect_dma semaphore(%arg15 : memref<!tpu.dma_semaphore, #tpu.memory_space<semaphore_mem>>) src(%dma_wait3A_509 : memref<1000000x64xf32, #tpu.memory_space<hbm>>) dst(%dma_wait3A_505 : memref<128x64xf32, #tpu.memory_space<vmem>>)
      %dma_wait3A_510 = arith.constant 1 : i32
      %dma_wait3A_511 = arith.constant 0 : i32
      %dma_wait3A_512 = arith.constant 0 : i32
      %dma_wait3A_513 = tpu.memref_slice %arg13[%dma_wait3A_510, %dma_wait3A_511, %dma_wait3A_512] : memref<2x256x64xf32, #tpu.memory_space<vmem>> -> memref<1x256x64xf32, #tpu.memory_space<vmem>>
      %dma_wait3A_514 = tpu.memref_squeeze %dma_wait3A_513 : memref<1x256x64xf32, #tpu.memory_space<vmem>> -> memref<256x64xf32, #tpu.memory_space<vmem>>
      %dma_wait3A_515 = arith.constant 128 : i32
      %dma_wait3A_516 = arith.constant 0 : i32
      %dma_wait3A_517 = tpu.memref_slice %dma_wait3A_514[%dma_wait3A_515, %dma_wait3A_516] : memref<256x64xf32, #tpu.memory_space<vmem>> -> memref<128x64xf32, #tpu.memory_space<vmem>>
      %dma_wait3A_518 = tpu.memref_slice %arg12[%add3A_497] : memref<10240xi32, #tpu.memory_space<vmem>> -> memref<128xi32, #tpu.memory_space<vmem>>
      %dma_wait3A_519 = arith.constant 0 : i32
      %dma_wait3A_520 = arith.constant 0 : i32
      %dma_wait3A_521 = tpu.memref_slice %arg6[%dma_wait3A_519, %dma_wait3A_520] : memref<1000000x64xf32, #tpu.memory_space<hbm>> -> memref<1000000x64xf32, #tpu.memory_space<hbm>>
      tpu.wait_indirect_dma semaphore(%arg15 : memref<!tpu.dma_semaphore, #tpu.memory_space<semaphore_mem>>) src(%dma_wait3A_521 : memref<1000000x64xf32, #tpu.memory_space<hbm>>) dst(%dma_wait3A_517 : memref<128x64xf32, #tpu.memory_space<vmem>>)
      %mul3A_522 = arith.constant 256 : i32
      %mul3A_523 = arith.muli %add3A_489, %mul3A_522 : i32
      %add3A_524 = arith.addi %mul3A_338, %mul3A_523 : i32
      %dma_start3A_525 = arith.constant 1 : i32
      %dma_start3A_526 = arith.constant 0 : i32
      %dma_start3A_527 = arith.constant 0 : i32
      %dma_start3A_528 = tpu.memref_slice %arg13[%dma_start3A_525, %dma_start3A_526, %dma_start3A_527] : memref<2x256x64xf32, #tpu.memory_space<vmem>> -> memref<1x256x64xf32, #tpu.memory_space<vmem>>
      %dma_start3A_529 = tpu.memref_squeeze %dma_start3A_528 : memref<1x256x64xf32, #tpu.memory_space<vmem>> -> memref<256x64xf32, #tpu.memory_space<vmem>>
      %dma_start3A_530 = arith.constant 0 : i32
      %dma_start3A_531 = tpu.memref_slice %arg9[%add3A_524, %dma_start3A_530] : memref<327680x64xf32, #tpu.memory_space<hbm>> -> memref<256x64xf32, #tpu.memory_space<hbm>>
      %dma_start3A_532 = arith.constant 0 : i32
      %dma_start3A_533 = tpu.memref_slice %arg9[%add3A_524, %dma_start3A_532] : memref<327680x64xf32, #tpu.memory_space<hbm>> -> memref<256x64xf32, #tpu.memory_space<hbm>>
      %dma_start3A_534 = arith.constant 0 : i32
      %dma_start3A_535 = arith.constant 0 : i32
      %dma_start3A_536 = tpu.memref_slice %arg13[%dma_start3A_525, %dma_start3A_534, %dma_start3A_535] : memref<2x256x64xf32, #tpu.memory_space<vmem>> -> memref<1x256x64xf32, #tpu.memory_space<vmem>>
      %dma_start3A_537 = tpu.memref_squeeze %dma_start3A_536 : memref<1x256x64xf32, #tpu.memory_space<vmem>> -> memref<256x64xf32, #tpu.memory_space<vmem>>
      tpu.enqueue_dma source(%dma_start3A_537 : memref<256x64xf32, #tpu.memory_space<vmem>>) target(%dma_start3A_533 : memref<256x64xf32, #tpu.memory_space<hbm>>) target_semaphore(%arg17 : memref<!tpu.dma_semaphore, #tpu.memory_space<semaphore_mem>>)
      %add3A_538 = arith.constant 2 : i32
      %add3A_539 = arith.addi %add3A_489, %add3A_538 : i32
      %lt3A_540 = arith.constant 40 : i32
      %lt3A_541 = arith.cmpi slt, %add3A_539, %lt3A_540 : i32
      %convert_element_type3A_542 = arith.extui %lt3A_541 : i1 to i32
      %cond3A_543 = arith.constant 1 : i32
      %cond3A_544 = arith.constant 0 : i32
      %cond3A_545 = arith.cmpi ne, %convert_element_type3A_542, %cond3A_544 : i32
      scf.if %cond3A_545 {
        %dma_wait3A_547 = arith.constant 0 : i32
        %dma_wait3A_548 = arith.constant 0 : i32
        %dma_wait3A_549 = tpu.memref_slice %arg13[%cond3A_543, %dma_wait3A_547, %dma_wait3A_548] : memref<2x256x64xf32, #tpu.memory_space<vmem>> -> memref<1x256x64xf32, #tpu.memory_space<vmem>>
        %dma_wait3A_550 = tpu.memref_squeeze %dma_wait3A_549 : memref<1x256x64xf32, #tpu.memory_space<vmem>> -> memref<256x64xf32, #tpu.memory_space<vmem>>
        %dma_wait3A_551 = arith.constant 0 : i32
        %dma_wait3A_552 = tpu.memref_slice %arg9[%add3A_524, %dma_wait3A_551] : memref<327680x64xf32, #tpu.memory_space<hbm>> -> memref<256x64xf32, #tpu.memory_space<hbm>>
        %dma_wait3A_553 = arith.constant 0 : i32
        %dma_wait3A_554 = tpu.memref_slice %arg9[%add3A_524, %dma_wait3A_553] : memref<327680x64xf32, #tpu.memory_space<hbm>> -> memref<256x64xf32, #tpu.memory_space<hbm>>
        %dma_wait3A_555 = arith.constant 0 : i32
        %dma_wait3A_556 = arith.constant 0 : i32
        %dma_wait3A_557 = tpu.memref_slice %arg13[%cond3A_543, %dma_wait3A_555, %dma_wait3A_556] : memref<2x256x64xf32, #tpu.memory_space<vmem>> -> memref<1x256x64xf32, #tpu.memory_space<vmem>>
        %dma_wait3A_558 = tpu.memref_squeeze %dma_wait3A_557 : memref<1x256x64xf32, #tpu.memory_space<vmem>> -> memref<256x64xf32, #tpu.memory_space<vmem>>
        tpu.wait_dma2 semaphore(%arg17 : memref<!tpu.dma_semaphore, #tpu.memory_space<semaphore_mem>>) src(%dma_wait3A_558 : memref<256x64xf32, #tpu.memory_space<vmem>>) dst(%dma_wait3A_554 : memref<256x64xf32, #tpu.memory_space<hbm>>)
        %add3A_559 = arith.constant 2 : i32
        %add3A_560 = arith.addi %add3A_489, %add3A_559 : i32
        %mul3A_561 = arith.constant 256 : i32
        %mul3A_562 = arith.muli %add3A_560, %mul3A_561 : i32
        %add3A_563 = arith.constant 0 : i32
        %add3A_564 = arith.addi %mul3A_562, %add3A_563 : i32
        %mul3A_565 = arith.constant 256 : i32
        %mul3A_566 = arith.muli %add3A_560, %mul3A_565 : i32
        %add3A_567 = arith.constant 128 : i32
        %add3A_568 = arith.addi %mul3A_566, %add3A_567 : i32
        %dma_start3A_569 = arith.constant 1 : i32
        %dma_start3A_570 = arith.constant 0 : i32
        %dma_start3A_571 = arith.constant 0 : i32
        %dma_start3A_572 = tpu.memref_slice %arg13[%dma_start3A_569, %dma_start3A_570, %dma_start3A_571] : memref<2x256x64xf32, #tpu.memory_space<vmem>> -> memref<1x256x64xf32, #tpu.memory_space<vmem>>
        %dma_start3A_573 = tpu.memref_squeeze %dma_start3A_572 : memref<1x256x64xf32, #tpu.memory_space<vmem>> -> memref<256x64xf32, #tpu.memory_space<vmem>>
        %dma_start3A_574 = arith.constant 0 : i32
        %dma_start3A_575 = arith.constant 0 : i32
        %dma_start3A_576 = tpu.memref_slice %dma_start3A_573[%dma_start3A_574, %dma_start3A_575] : memref<256x64xf32, #tpu.memory_space<vmem>> -> memref<128x64xf32, #tpu.memory_space<vmem>>
        %dma_start3A_577 = tpu.memref_slice %arg12[%add3A_564] : memref<10240xi32, #tpu.memory_space<vmem>> -> memref<128xi32, #tpu.memory_space<vmem>>
        %dma_start3A_578 = arith.constant 0 : i32
        %dma_start3A_579 = arith.constant 0 : i32
        %dma_start3A_580 = tpu.memref_slice %arg6[%dma_start3A_578, %dma_start3A_579] : memref<1000000x64xf32, #tpu.memory_space<hbm>> -> memref<1000000x64xf32, #tpu.memory_space<hbm>>
        tpu.enqueue_indirect_dma source(%dma_start3A_580 : memref<1000000x64xf32, #tpu.memory_space<hbm>>) target(%dma_start3A_576 : memref<128x64xf32, #tpu.memory_space<vmem>>) offsets(%dma_start3A_577 : memref<128xi32, #tpu.memory_space<vmem>>) semaphore(%arg15 : memref<!tpu.dma_semaphore, #tpu.memory_space<semaphore_mem>>)
        %dma_start3A_581 = arith.constant 1 : i32
        %dma_start3A_582 = arith.constant 0 : i32
        %dma_start3A_583 = arith.constant 0 : i32
        %dma_start3A_584 = tpu.memref_slice %arg13[%dma_start3A_581, %dma_start3A_582, %dma_start3A_583] : memref<2x256x64xf32, #tpu.memory_space<vmem>> -> memref<1x256x64xf32, #tpu.memory_space<vmem>>
        %dma_start3A_585 = tpu.memref_squeeze %dma_start3A_584 : memref<1x256x64xf32, #tpu.memory_space<vmem>> -> memref<256x64xf32, #tpu.memory_space<vmem>>
        %dma_start3A_586 = arith.constant 128 : i32
        %dma_start3A_587 = arith.constant 0 : i32
        %dma_start3A_588 = tpu.memref_slice %dma_start3A_585[%dma_start3A_586, %dma_start3A_587] : memref<256x64xf32, #tpu.memory_space<vmem>> -> memref<128x64xf32, #tpu.memory_space<vmem>>
        %dma_start3A_589 = tpu.memref_slice %arg12[%add3A_568] : memref<10240xi32, #tpu.memory_space<vmem>> -> memref<128xi32, #tpu.memory_space<vmem>>
        %dma_start3A_590 = arith.constant 0 : i32
        %dma_start3A_591 = arith.constant 0 : i32
        %dma_start3A_592 = tpu.memref_slice %arg6[%dma_start3A_590, %dma_start3A_591] : memref<1000000x64xf32, #tpu.memory_space<hbm>> -> memref<1000000x64xf32, #tpu.memory_space<hbm>>
        tpu.enqueue_indirect_dma source(%dma_start3A_592 : memref<1000000x64xf32, #tpu.memory_space<hbm>>) target(%dma_start3A_588 : memref<128x64xf32, #tpu.memory_space<vmem>>) offsets(%dma_start3A_589 : memref<128xi32, #tpu.memory_space<vmem>>) semaphore(%arg15 : memref<!tpu.dma_semaphore, #tpu.memory_space<semaphore_mem>>)
      } else {
      }
      %scan3A_546 = arith.constant 0 : i32
      scf.yield %scan3A_546 : i32
    }
    %scan3A_396 = arith.constant 20 : i32
    %add3A_397 = arith.constant 9728 : i32
    %add3A_398 = arith.addi %mul3A_338, %add3A_397 : i32
    %dma_wait3A_399 = arith.constant 0 : i32
    %dma_wait3A_400 = arith.constant 0 : i32
    %dma_wait3A_401 = arith.constant 0 : i32
    %dma_wait3A_402 = tpu.memref_slice %arg13[%dma_wait3A_399, %dma_wait3A_400, %dma_wait3A_401] : memref<2x256x64xf32, #tpu.memory_space<vmem>> -> memref<1x256x64xf32, #tpu.memory_space<vmem>>
    %dma_wait3A_403 = tpu.memref_squeeze %dma_wait3A_402 : memref<1x256x64xf32, #tpu.memory_space<vmem>> -> memref<256x64xf32, #tpu.memory_space<vmem>>
    %dma_wait3A_404 = arith.constant 0 : i32
    %dma_wait3A_405 = tpu.memref_slice %arg9[%add3A_398, %dma_wait3A_404] : memref<327680x64xf32, #tpu.memory_space<hbm>> -> memref<256x64xf32, #tpu.memory_space<hbm>>
    %dma_wait3A_406 = arith.constant 0 : i32
    %dma_wait3A_407 = tpu.memref_slice %arg9[%add3A_398, %dma_wait3A_406] : memref<327680x64xf32, #tpu.memory_space<hbm>> -> memref<256x64xf32, #tpu.memory_space<hbm>>
    %dma_wait3A_408 = arith.constant 0 : i32
    %dma_wait3A_409 = arith.constant 0 : i32
    %dma_wait3A_410 = tpu.memref_slice %arg13[%dma_wait3A_399, %dma_wait3A_408, %dma_wait3A_409] : memref<2x256x64xf32, #tpu.memory_space<vmem>> -> memref<1x256x64xf32, #tpu.memory_space<vmem>>
    %dma_wait3A_411 = tpu.memref_squeeze %dma_wait3A_410 : memref<1x256x64xf32, #tpu.memory_space<vmem>> -> memref<256x64xf32, #tpu.memory_space<vmem>>
    tpu.wait_dma2 semaphore(%arg16 : memref<!tpu.dma_semaphore, #tpu.memory_space<semaphore_mem>>) src(%dma_wait3A_411 : memref<256x64xf32, #tpu.memory_space<vmem>>) dst(%dma_wait3A_407 : memref<256x64xf32, #tpu.memory_space<hbm>>)
    %add3A_412 = arith.constant 9984 : i32
    %add3A_413 = arith.addi %mul3A_338, %add3A_412 : i32
    %dma_wait3A_414 = arith.constant 1 : i32
    %dma_wait3A_415 = arith.constant 0 : i32
    %dma_wait3A_416 = arith.constant 0 : i32
    %dma_wait3A_417 = tpu.memref_slice %arg13[%dma_wait3A_414, %dma_wait3A_415, %dma_wait3A_416] : memref<2x256x64xf32, #tpu.memory_space<vmem>> -> memref<1x256x64xf32, #tpu.memory_space<vmem>>
    %dma_wait3A_418 = tpu.memref_squeeze %dma_wait3A_417 : memref<1x256x64xf32, #tpu.memory_space<vmem>> -> memref<256x64xf32, #tpu.memory_space<vmem>>
    %dma_wait3A_419 = arith.constant 0 : i32
    %dma_wait3A_420 = tpu.memref_slice %arg9[%add3A_413, %dma_wait3A_419] : memref<327680x64xf32, #tpu.memory_space<hbm>> -> memref<256x64xf32, #tpu.memory_space<hbm>>
    %dma_wait3A_421 = arith.constant 0 : i32
    %dma_wait3A_422 = tpu.memref_slice %arg9[%add3A_413, %dma_wait3A_421] : memref<327680x64xf32, #tpu.memory_space<hbm>> -> memref<256x64xf32, #tpu.memory_space<hbm>>
    %dma_wait3A_423 = arith.constant 0 : i32
    %dma_wait3A_424 = arith.constant 0 : i32
    %dma_wait3A_425 = tpu.memref_slice %arg13[%dma_wait3A_414, %dma_wait3A_423, %dma_wait3A_424] : memref<2x256x64xf32, #tpu.memory_space<vmem>> -> memref<1x256x64xf32, #tpu.memory_space<vmem>>
    %dma_wait3A_426 = tpu.memref_squeeze %dma_wait3A_425 : memref<1x256x64xf32, #tpu.memory_space<vmem>> -> memref<256x64xf32, #tpu.memory_space<vmem>>
    tpu.wait_dma2 semaphore(%arg17 : memref<!tpu.dma_semaphore, #tpu.memory_space<semaphore_mem>>) src(%dma_wait3A_426 : memref<256x64xf32, #tpu.memory_space<vmem>>) dst(%dma_wait3A_422 : memref<256x64xf32, #tpu.memory_space<hbm>>)
    return
  }
}

module attributes {stable_mosaic.version = 14 : i64} {
  func.func @body(%arg0: i32, %arg1: memref<1024x64xf32, #tpu.memory_space<vmem>>, %arg2: memref<1024x64xf32, #tpu.memory_space<vmem>>, %arg3: memref<20x1024x64xf32, #tpu.memory_space<vmem>>, %arg4: memref<1x1xf32, #tpu.memory_space<vmem>>) attributes {dimension_semantics = [#tpu.dimension_semantics<arbitrary>], iteration_bounds = array<i64: 16>, scalar_prefetch = 0 : i64, scratch_operands = 0 : i64, tpu.core_type = #tpu.core_type<tc>, window_params = [{transform_indices = @transform_0, window_bounds = array<i64: 1024, 64>}, {transform_indices = @transform_1, window_bounds = array<i64: 1024, 64>}, {transform_indices = @transform_2, window_bounds = array<i64: 20, 1024, 64>}, {pipeline_mode = #tpu.pipeline_mode<synchronous>, transform_indices = @transform_3, window_bounds = array<i64: 1, 1>}]} {
    %get3A = arith.constant 0 : index
    %get3A_0 = arith.constant 0 : index
    %get3A_1 = vector.load %arg1[%get3A, %get3A_0] : memref<1024x64xf32, #tpu.memory_space<vmem>>, vector<1024x64xf32>
    %get3A_2 = arith.constant 0 : index
    %get3A_3 = arith.constant 0 : index
    %get3A_4 = vector.load %arg2[%get3A_2, %get3A_3] : memref<1024x64xf32, #tpu.memory_space<vmem>>, vector<1024x64xf32>
    %mul3A = arith.mulf %get3A_1, %get3A_4 : vector<1024x64xf32>
    %reduce_sum3A = arith.constant dense<0.000000e+00> : vector<1024xf32>
    %reduce_sum3A_5 = vector.multi_reduction <add>, %mul3A, %reduce_sum3A [1] : vector<1024x64xf32> to vector<1024xf32>
    %logistic3A = arith.negf %reduce_sum3A_5 : vector<1024xf32>
    %logistic3A_6 = math.exp %logistic3A : vector<1024xf32>
    %logistic3A_7 = arith.constant 1.000000e+00 : f32
    %logistic3A_8 = vector.broadcast %logistic3A_7 : f32 to vector<1024xf32>
    %logistic3A_9 = arith.addf %logistic3A_8, %logistic3A_6 : vector<1024xf32>
    %logistic3A_10 = arith.divf %logistic3A_8, %logistic3A_9 : vector<1024xf32>
    %add3A = arith.constant 1.000000e-10 : f32
    %add3A_11 = vector.broadcast %add3A : f32 to vector<1024xf32>
    %add3A_12 = arith.addf %logistic3A_10, %add3A_11 : vector<1024xf32>
    %log3A = math.log %add3A_12 : vector<1024xf32>
    %neg3A = arith.constant 0.000000e+00 : f32
    %neg3A_13 = vector.broadcast %neg3A : f32 to vector<1024xf32>
    %neg3A_14 = arith.subf %neg3A_13, %log3A : vector<1024xf32>
    %reduce_sum3A_15 = vector.shape_cast %neg3A_14 : vector<1024xf32> to vector<1x1024xf32>
    %reduce_sum3A_16 = arith.constant dense<0.000000e+00> : vector<1xf32>
    %reduce_sum3A_17 = vector.multi_reduction <add>, %reduce_sum3A_15, %reduce_sum3A_16 [1] : vector<1x1024xf32> to vector<1xf32>
    %reduce_sum3A_18 = vector.shape_cast %reduce_sum3A_17 : vector<1xf32> to vector<1x1xf32>
    %reduce_sum3A_19 = vector.extract %reduce_sum3A_18[0, 0] : f32 from vector<1x1xf32>
    %get3A_20 = arith.constant 0 : index
    %get3A_21 = arith.constant 0 : index
    %get3A_22 = arith.constant 0 : index
    %get3A_23 = vector.load %arg3[%get3A_20, %get3A_21, %get3A_22] : memref<20x1024x64xf32, #tpu.memory_space<vmem>>, vector<20x1024x64xf32>
    %broadcast_in_dim3A = vector.shape_cast %get3A_1 : vector<1024x64xf32> to vector<1x1024x64xf32>
    %mul3A_24 = vector.broadcast %broadcast_in_dim3A : vector<1x1024x64xf32> to vector<20x1024x64xf32>
    %mul3A_25 = arith.mulf %get3A_23, %mul3A_24 : vector<20x1024x64xf32>
    %reduce_sum3A_26 = arith.constant dense<0.000000e+00> : vector<20x1024xf32>
    %reduce_sum3A_27 = vector.multi_reduction <add>, %mul3A_25, %reduce_sum3A_26 [2] : vector<20x1024x64xf32> to vector<20x1024xf32>
    %neg3A_28 = arith.constant 0.000000e+00 : f32
    %neg3A_29 = vector.broadcast %neg3A_28 : f32 to vector<20x1024xf32>
    %neg3A_30 = arith.subf %neg3A_29, %reduce_sum3A_27 : vector<20x1024xf32>
    %logistic3A_31 = arith.negf %neg3A_30 : vector<20x1024xf32>
    %logistic3A_32 = math.exp %logistic3A_31 : vector<20x1024xf32>
    %logistic3A_33 = arith.constant 1.000000e+00 : f32
    %logistic3A_34 = vector.broadcast %logistic3A_33 : f32 to vector<20x1024xf32>
    %logistic3A_35 = arith.addf %logistic3A_34, %logistic3A_32 : vector<20x1024xf32>
    %logistic3A_36 = arith.divf %logistic3A_34, %logistic3A_35 : vector<20x1024xf32>
    %add3A_37 = arith.constant 1.000000e-10 : f32
    %add3A_38 = vector.broadcast %add3A_37 : f32 to vector<20x1024xf32>
    %add3A_39 = arith.addf %logistic3A_36, %add3A_38 : vector<20x1024xf32>
    %log3A_40 = math.log %add3A_39 : vector<20x1024xf32>
    %neg3A_41 = arith.constant 0.000000e+00 : f32
    %neg3A_42 = vector.broadcast %neg3A_41 : f32 to vector<20x1024xf32>
    %neg3A_43 = arith.subf %neg3A_42, %log3A_40 : vector<20x1024xf32>
    %reduce_sum3A_44 = vector.shape_cast %neg3A_43 : vector<20x1024xf32> to vector<1x20x1024xf32>
    %reduce_sum3A_45 = arith.constant dense<0.000000e+00> : vector<1xf32>
    %reduce_sum3A_46 = vector.multi_reduction <add>, %reduce_sum3A_44, %reduce_sum3A_45 [1, 2] : vector<1x20x1024xf32> to vector<1xf32>
    %reduce_sum3A_47 = vector.shape_cast %reduce_sum3A_46 : vector<1xf32> to vector<1x1x1xf32>
    %reduce_sum3A_48 = vector.extract %reduce_sum3A_47[0, 0, 0] : f32 from vector<1x1x1xf32>
    %add3A_49 = arith.addf %reduce_sum3A_19, %reduce_sum3A_48 : f32
    %eq3A = arith.constant 0 : i32
    %eq3A_50 = arith.cmpi eq, %arg0, %eq3A : i32
    %convert_element_type3A = arith.extui %eq3A_50 : i1 to i32
    %cond3A = arith.constant 0 : i32
    %cond3A_51 = arith.cmpi ne, %convert_element_type3A, %cond3A : i32
    scf.if %cond3A_51 {
      %broadcast_in_dim3A_59 = arith.constant 0.000000e+00 : f32
      %broadcast_in_dim3A_60 = vector.broadcast %broadcast_in_dim3A_59 : f32 to vector<1x1xf32>
      %swap3A_61 = arith.constant 0 : index
      %swap3A_62 = arith.constant 0 : index
      %swap3A_63 = vector.load %arg4[%swap3A_61, %swap3A_62] : memref<1x1xf32, #tpu.memory_space<vmem>>, vector<1x1xf32>
      tpu.vector_store %arg4[%swap3A_61, %swap3A_62], %broadcast_in_dim3A_60 {strides = array<i32>} : memref<1x1xf32, #tpu.memory_space<vmem>>, vector<1x1xf32>,
    } else {
    }
    %get3A_52 = arith.constant 0 : index
    %get3A_53 = arith.constant 0 : index
    %get3A_54 = vector.load %arg4[%get3A_52, %get3A_53] : memref<1x1xf32, #tpu.memory_space<vmem>>, vector<1x1xf32>
    %div3A = arith.constant 1.638400e+04 : f32
    %div3A_55 = arith.divf %add3A_49, %div3A : f32
    %reshape3A = vector.broadcast %div3A_55 : f32 to vector<1x1xf32>
    %add3A_56 = arith.addf %get3A_54, %reshape3A : vector<1x1xf32>
    %swap3A = arith.constant 0 : index
    %swap3A_57 = arith.constant 0 : index
    %swap3A_58 = vector.load %arg4[%swap3A, %swap3A_57] : memref<1x1xf32, #tpu.memory_space<vmem>>, vector<1x1xf32>
    tpu.vector_store %arg4[%swap3A, %swap3A_57], %add3A_56 {strides = array<i32>} : memref<1x1xf32, #tpu.memory_space<vmem>>, vector<1x1xf32>,
    return
  }
  func.func @transform_0(%arg0: i32) -> (i32, i32) {
    %c0_i32 = arith.constant 0 : i32
    %c0_i32_0 = arith.constant 0 : i32
    return %arg0, %c0_i32 : i32, i32
  }
  func.func @transform_1(%arg0: i32) -> (i32, i32) {
    %c0_i32 = arith.constant 0 : i32
    %c0_i32_0 = arith.constant 0 : i32
    return %arg0, %c0_i32 : i32, i32
  }
  func.func @transform_2(%arg0: i32) -> (i32, i32, i32) {
    %c0_i32 = arith.constant 0 : i32
    %c0_i32_0 = arith.constant 0 : i32
    %c0_i32_1 = arith.constant 0 : i32
    return %c0_i32, %arg0, %c0_i32_0 : i32, i32, i32
  }
  func.func @transform_3(%arg0: i32) -> (i32, i32) {
    %c0_i32 = arith.constant 0 : i32
    %c0_i32_0 = arith.constant 0 : i32
    %c0_i32_1 = arith.constant 0 : i32
    return %c0_i32, %c0_i32_0 : i32, i32
  }
}

</mosaic_0001>

<sc_bundles>
// kernel: kernel.4.cloned.1.call-start
scs
__scs_entry_jumppad:
0x0: {  	(pc) =	sbr.rel $0x88, $3  }
0x1: {  	(tag) =	ssettag $0x0;
	lr =	simm.s32 $0x1  }
0x2: {  	[smem:$0x3F9C] =	sst lr;
	_ =	strace $0xD0000000  }
0x3: {  	_ = 	snop  }
0x4: {  	_ = 	snop  }
0x5: {  	_ = 	snop  }
0x6: {  	_ = 	snop  }
0x7: {  	_ = 	snop  }
__scs_overlays_trampoline_lowered:
0x8: {  	[smem:$0x3FAB] =	sst s0  }
0x9: {  	[smem:$0x3FAC] =	sst s1  }
0xa: {  	[smem:$0x3FAD] =	sst s2  }
0xb: {  	[smem:$0x3FAE] =	sst s3  }
0xc: {  	[smem:$0x3FAF] =	sst s4  }
0xd: {  	[smem:$0x3FB0] =	sst s5  }
0xe: {  	[smem:$0x3FB1] =	sst s6  }
0xf: {  	[smem:$0x3FB2] =	sst s7  }
0x10: {  	[smem:$0x3FB3] =	sst s8  }
0x11: {  	[smem:$0x3FB4] =	sst s9;
	s0 =	simm.s32 @!p0 $0x0  }
0x12: {  	s1 =	sld [smem:$0x3F9A];
	s0 =	simm.s32 @p0 $0x1  }
0x13: {  	[smem:$0x3FB5] =	sst s0;
	s0 =	simm.s32 @!p1 $0x0  }
0x14: {  	s2 =	sld [smem:$0x3F99];
	s0 =	simm.s32 @p1 $0x1  }
0x15: {  	[smem:$0x3FB6] =	sst s0;
	s0 =	simm.s32 @!p2 $0x0  }
0x16: {  	s3 =	sld [smem:$0x3FDB];
	s0 =	simm.s32 @p2 $0x1  }
0x17: {  	s4 =	simm.s32 $0x1BF5;
	[smem:$0x3FB8] =	sst s0  }
0x18: {  	s0 =	sld [smem:$0x3F9B];
	_ =	swait.ge [sflag:s4], $0x0  }
0x19: {  	s7 =	sld [smem:$0x3F9C]  }
0x1a: {  	s8 =	sadd.s32 $0xFFFFE003, lr  }
0x1b: {  	s9 =	sadd.s32 $0xFFFFFEF7, lr;
	s5 =	simm.s32 $0xFFFFFFFF;
	p2 =	slt.u32 s8, $0xFFFFF086  }
0x1c: {  	p1 =	slt.u32 s9, $0xF7A;
	s5 =	simm.s32 @!p2 $0x0  }
0x1d: {  	s5 =	simm.s32 @p1 $0x1;
	p0 =	seq.s32 s7, s2  }
0x1e: {  	s7 =	smul.u32 @!p0 $0xF7A, s2;
	p2 =	seq.s32 @!p0 s5, $0x0  }
0x1f: {  	s9 =	smul.u32 $0xF7A, s1;
	s8 =	simm.s32 @!p0 $0x1BF5;
	p2 =	por !p2, p0  }
0x20: {  	[sflag:s8] =	ssyncset.s32 @!p0 $0xFFFFF086;
	s6 =	sadd.s32 @!p0 s3, s7;
	s7 =	simm.s32 @!p0 $0x108  }
0x21: {  	s3 =	sadd.s32 s3, s9;
	s6 =	sadd.s32 @!p0 $0x88, s6;
	s7 =	simm.s32 @p2 $0x1082  }
0x22: {  	[simem:s7], [sflag:s8] =	dma.local @!p0 [hbm:s6], $0xF7A  }
0x23: {  	s9 =	sor.u32 $0xD0000000, s2;
	s6 =	simm.s32 $0x108;
	_ =	swait.ge @!p0 [sflag:s8], $0x0  }
0x24: {  	s3 =	sadd.s32 $0x88, s3;
	s6 =	simm.s32 @!p1 $0x1082;
	[sflag:s4] =	ssyncset.s32 $0xFFFFF086  }
0x25: {  	[simem:s6], [sflag:s4] =	dma.local [hbm:s3], $0xF7A  }
0x26: {  	[smem:$0x3F9C] =	sst s1;
	(tag) =	ssettag s2;
	_ =	strace s9  }
0x27: {  	s1 =	sld [smem:$0x3FAC]  }
0x28: {  	s2 =	sld [smem:$0x3FAD]  }
0x29: {  	s4 =	sld [smem:$0x3FAF]  }
0x2a: {  	p0 =	seq.s32 s5, $0x0;
	s5 =	sld [smem:$0x3FB0]  }
0x2b: {  	s6 =	sld [smem:$0x3FB1]  }
0x2c: {  	s7 =	sld [smem:$0x3FB2]  }
0x2d: {  	s3 =	simm.s32 $0x108;
	s8 =	sld [smem:$0x3FB3]  }
0x2e: {  	s3 =	simm.s32 @!p0 $0x1082;
	s9 =	sld [smem:$0x3FB4]  }
0x2f: {  	lr =	sadd.s32 s0, s3;
	s0 =	sld [smem:$0x3FAB]  }
0x30: {  	s3 =	sld [smem:$0x3FAE]  }
0x31: {  	[smem:$0x3FB7] =	sst s10  }
0x32: {  	s10 =	sld [smem:$0x3FB5];
	_ =	sdelay $0x3  }
0x33: {  	p0 =	seq.s32 s10, $0x1;
	s10 =	sld [smem:$0x3FB7];
	_ =	sdelay $0x3  }
0x34: {  	[smem:$0x3FB7] =	sst s10  }
0x35: {  	s10 =	sld [smem:$0x3FB6];
	_ =	sdelay $0x3  }
0x36: {  	p1 =	seq.s32 s10, $0x1;
	s10 =	sld [smem:$0x3FB7];
	_ =	sdelay $0x3  }
0x37: {  	[smem:$0x3FB7] =	sst s10  }
0x38: {  	s10 =	sld [smem:$0x3FB8]  }
0x39: {  	_ = 	snop;
	(pc) =	sbr.ind lr, $3  }
0x3a: {  	_ = 	snop  }
0x3b: {  	_ = 	snop  }
0x3c: {  	p2 =	seq.s32 s10, $0x1;
	s10 =	sld [smem:$0x3FB7]  }
0x3d: {  	_ =	shalt  }
0x3e: {  	_ =	shalt  }
0x3f: {  	_ =	shalt  }
0x40: {  	_ =	shalt  }
0x41: {  	_ =	shalt  }
0x42: {  	_ =	shalt  }
0x43: {  	_ =	shalt  }
0x44: {  	_ =	shalt  }
0x45: {  	_ =	shalt  }
0x46: {  	_ =	shalt  }
0x47: {  	_ =	shalt  }
0x48: {  	_ =	shalt  }
0x49: {  	_ =	shalt  }
0x4a: {  	_ =	shalt  }
0x4b: {  	_ =	shalt  }
0x4c: {  	_ =	shalt  }
0x4d: {  	_ =	shalt  }
0x4e: {  	_ =	shalt  }
0x4f: {  	_ =	shalt  }
0x50: {  	_ =	shalt  }
0x51: {  	_ =	shalt  }
0x52: {  	_ =	shalt  }
0x53: {  	_ =	shalt  }
0x54: {  	_ =	shalt  }
0x55: {  	_ =	shalt  }
0x56: {  	_ =	shalt  }
0x57: {  	_ =	shalt  }
0x58: {  	_ =	shalt  }
0x59: {  	_ =	shalt  }
0x5a: {  	_ =	shalt  }
0x5b: {  	_ =	shalt  }
0x5c: {  	_ =	shalt  }
0x5d: {  	_ =	shalt  }
0x5e: {  	_ =	shalt  }
0x5f: {  	_ =	shalt  }
0x60: {  	_ =	shalt  }
0x61: {  	_ =	shalt  }
0x62: {  	_ =	shalt  }
0x63: {  	_ =	shalt  }
0x64: {  	_ =	shalt  }
0x65: {  	_ =	shalt  }
0x66: {  	_ =	shalt  }
0x67: {  	_ =	shalt  }
0x68: {  	_ =	shalt  }
0x69: {  	_ =	shalt  }
0x6a: {  	_ =	shalt  }
0x6b: {  	_ =	shalt  }
0x6c: {  	_ =	shalt  }
0x6d: {  	_ =	shalt  }
0x6e: {  	_ =	shalt  }
0x6f: {  	_ =	shalt  }
0x70: {  	_ =	shalt  }
0x71: {  	_ =	shalt  }
0x72: {  	_ =	shalt  }
0x73: {  	_ =	shalt  }
0x74: {  	_ =	shalt  }
0x75: {  	_ =	shalt  }
0x76: {  	_ =	shalt  }
0x77: {  	_ =	shalt  }
0x78: {  	_ =	shalt  }
0x79: {  	_ =	shalt  }
0x7a: {  	_ =	shalt  }
0x7b: {  	_ =	shalt  }
0x7c: {  	_ =	shalt  }
0x7d: {  	_ =	shalt  }
0x7e: {  	_ =	shalt  }
0x7f: {  	_ =	shalt  }
0x80: {  	_ =	shalt  }
0x81: {  	_ =	shalt  }
0x82: {  	_ =	shalt  }
0x83: {  	_ =	shalt  }
0x84: {  	_ =	shalt  }
0x85: {  	_ =	shalt  }
0x86: {  	_ =	shalt  }
0x87: {  	_ =	shalt  }
.Lfunc_end0:
.L_simem_size_0:
called_computation_lowered:
.L_overlay_start_0:
0x88: {  	s2 =	sld [smem:$0x3FD9]  }
0x89: {  	s3 =	sld [smem:$0x3FFE];
	_ =	sdelay $0x1  }
0x8a: {  	s1 =	srdreg.scid  }
0x8b: {  	s0 =	sand.u32 $0x1, s1  }
0x8c: {  	s17 =	sshll.u32 s0, $0xA;
	s2 =	sadd.s32 s3, s2  }
0x8d: {  	s2 =	sadd.s32 s2, s17  }
0x8e: {  	[smem:$0x3FC3] =	sst s2  }
0x8f: {  	_ = 	snop  }
0x90: {  	s2 =	sld [smem:$0x3FC9]  }
0x91: {  	s18 =	sld [smem:$0x3FC8];
	(tm) =	ssettm $0x1  }
0x92: {  	s4 =	sld [smem:$0x3FFB];
	_ =	sdelay $0x3  }
0x93: {  	_ =	strace s4  }
0x94: {  	s4 =	sld [smem:$0x3FFC];
	_ =	sdelay $0x3  }
0x95: {  	_ =	strace s4  }
0x96: {  	s4 =	sld [smem:$0x3FFD];
	_ =	sdelay $0x3  }
0x97: {  	_ =	strace s4  }
0x98: {  	_ =	strace $0x8FFFFFFF  }
0x99: {  	s19 =	sld [smem:$0x3FDB];
	_ =	sdelay $0x1  }
0x9a: {  	s5 =	simm.s32 $_scs_section_size  }
0x9b: {  	s6 =	simm.s32 $_size__tile_overlayer_lowered;
	s7 =	simm.s32 $_tile_overlayer_lowered  }
0x9c: {  	s22 =	simm.s32 $0x1BFF;
	s21 =	sshll.u32 s7, $0x1;
	s4 =	sadd.s32 s5, s19  }
0x9d: {  	s8 =	simm.s32 $0x0;
	s20 =	sshll.u32 s6, $0x1;
	s6 =	sadd.s32 s21, s4  }
0x9e: {  	[timem:s8], [sflag:s22] =	dma.local [hbm:s6], s20  }
0x9f: {  	_ =	swait.ge [sflag:s22], s20  }
0xa0: {  	s5 =	ssub.s32 $0x0, s20;
	[sflag:s22] =	ssyncset.done $0x0  }
0xa1: {  	[sflag:s22] =	ssyncadd.s32 s5;
	_ =	sdelay $0x1  }
0xa2: {  	s23 =	simm.s32 $0x1B8B  }
0xa3: {  	_ =	swait.ge [sflag:s23], $0x1  }
0xa4: {  	[sflag:s23] =	ssyncset.done $0x0  }
0xa5: {  	s25 =	simm.s32 $0x1B8E;
	s24 =	sld [smem:$0x3FFE];
	[sflag:s23] =	ssyncadd.s32 $0xFFFFFFFF  }
0xa6: {  	s26 =	simm.s32 $execute0_lowered;
	[smem:$0x3FD2] =	sst s25  }
0xa7: {  	s6 =	sshll.u32 s26, $0x1;
	_ =	strace $0x80000046;
	[dreg:$0x1] =	wrdreg $0xFFFFFFFF  }
0xa8: {  	s28 =	simm.s32 $_size_execute0_lowered;
	s4 =	sadd.s32 s4, s6;
	[dreg:$0x0] =	wrdreg $0x0  }
0xa9: {  	s6 =	sshll.u32 s28, $0x1;
	[dreg:$0x2] =	wrdreg s4  }
0xaa: {  	[dreg:$0x3] =	wrdreg s6  }
0xab: {  	[dreg:$0x4] =	wrdreg $0xC0  }
0xac: {  	_ =	task [dreg:s8], $0x5FFFF  }
0xad: {  	[dreg:$0x1] =	wrdreg $0xFFFFFFFF  }
0xae: {  	[dreg:$0x0] =	wrdreg $0x60  }
0xaf: {  	[dreg:$0x2] =	wrdreg s2  }
0xb0: {  	[dreg:$0x3] =	wrdreg s18  }
0xb1: {  	[dreg:$0x4] =	wrdreg s24  }
0xb2: {  	[dreg:$0x5] =	wrdreg $0x9  }
0xb3: {  	_ =	task.clear_ibuf [dreg:s8], $0x6FFFF;
	_ =	strace $0x90000046  }
0xb4: {  	s29 =	simm.s32 $0x9;
	_ =	strace $0x80000048  }
0xb5: {  	_ =	swait.ge [sflag:s29], $0x1  }
0xb6: {  	[sflag:s29] =	ssyncadd.s32 $0xFFFFFFFF  }
0xb7: {  	_ =	strace $0x90000048  }
0xb8: {  	_ =	sfence  }
0xb9: {  	s30 =	sld [smem:$0x0];
	_ =	sdelay $0x2  }
0xba: {  	s31 =	sshll.u32 s1, $0xD;
	s1 =	sshrl.u32 s1, $0x2  }
0xbb: {  	s3 =	sand.u32 $0x4000, s31;
	s1 =	sadd.s32 s1, s30  }
0xbc: {  	s0 =	sor.u32 s3, s0;
	s1 =	sshll.u32 s1, $0x11  }
0xbd: {  	s0 =	sor.u32 s1, s0  }
0xbe: {  	s0 =	sadd.s32 $0x8F2B, s0  }
0xbf: {  	[sflag:s0] =	ssyncadd.remote.s32 $0x1  }
0xc0: {  	_ =	sfence.sel $0xFFFF  }
0xc1: {  	[dreg:$0x0] =	wrdreg $0xFFFFFFFF;
	(pc) =	sbr.abs _section_cstart, $3  }
0xc2: {  	[dreg:$0x1] =	wrdreg $0xFFFFFFFF  }
0xc3: {  	_ =	task.clear_ibuf [dreg:s8], $0x2FFFF;
	_ =	strace $0x9FFFFFFF  }
0xc4: {  	(tm) =	ssettm $0x7FFFFFFF  }
0xc5: {  	_ =	shalt  }
tec
execute0_lowered:
.L_overlay_start_1:
0x0: {  	(tag) =	ssettag $0x1  }
0x1: {  	s1 =	rddreg [dreg:$0x0]  }
0x2: {  	s0 =	srdreg.scid;
	s5 =	rddreg [dreg:$0x1]  }
0x3: {  	s17 =	stileid.u32;
	s6 =	rddreg [dreg:$0x2];
	s18 =	simm.s32 $0x200  }
0x4: {  	s19 =	simm.s32 $0x400;
	s28 =	simm.s32 $0x1;
	s29 =	simm.s32 $0x2  }
0x5: {  	s30 =	simm.s32 $0x3;
	s31 =	simm.s32 $0x4;
	s4 =	sadd.s32 $0xF43200, s6  }
0x6: {  	s0 =	sand.u32 $0x1, s0;
	s9 =	sadd.s32 $0x2AAE00, s6;
	s16 =	smul.u32 $0x140000, s17  }
0x7: {  	s2 =	sshll.u32 s17, $0x1;
	s11 =	sadd.s32 $0x28AE00, s6;
	s17 =	smul.u32 $0x5000, s17  }
0x8: {  	s15 =	sadd.s32 $0xAE00, s6;
	s13 =	sor.u32 s0, s2;
	s24 =	smul.u32 $0x2800, s0  }
0x9: {  	s2 =	simm.s32 $0x0;
	s8 =	ssub.s32 $0x2, s0;
	s0 =	smul.u32 $0xA0000, s0  }
0xa: {  	s3 =	smul.u32 $0x2800, s13;
	[smem:$0x7FF] =	sst s2;
	s10 =	sshrl.u32 s8, $0x1  }
0xb: {  	s12 =	sshll.u32 s13, $0x6;
	s21 =	sshll.u32 s13, $0xC;
	s22 =	smul.u32 $0xA0000, s13  }
0xc: {  	s25 =	smul.u32 $0x14000, s13;
	_ =	strace $0x80000047;
	s14 =	ssub.s32 s8, s10  }
0xd: {  	s1 =	sadd.s32 s1, s12;
	s20 =	sadd.s32 s5, s12;
	s23 =	sor.u32 $0x800, s21  }
0xe: {  	s8 =	sadd.s32 s9, s21;
	s10 =	sadd.s32 s11, s21;
	s0 =	sadd.s32 s0, s16  }
0xf: {  	s21 =	simm.s32 $0x2C00;
	s3 =	sshrl.u32 s3, $0x3;
	[dreg:$0x4] =	wrdreg s1  }
0x10: {  	[dreg:$0x5] =	wrdreg s20;
	s9 =	sadd.s32 s9, s23;
	s11 =	sadd.s32 s11, s23  }
0x11: {  	s12 =	smax.u32 s14, $0x1;
	s5 =	sshrl.u32 s22, $0x3;
	s1 =	sadd.s32 s24, s17  }
0x12: {  	s26 =	sadd.s32 s15, s25;
	s0 =	sshrl.u32 s0, $0x3;
	s17 =	simm.s32 $0x5  }
0x13: {  	s20 =	simm.s32 $0x80;
	s22 =	simm.s32 $0x4C00;
	s24 =	simm.s32 $0x6C00  }
0x14: {  	s23 =	simm.s32 $0x0;
	s7 =	sadd.s32 s3, s6;
	s3 =	sadd.s32 $0x16E4400, s6  }
0x15: {  	s5 =	sadd.s32 s15, s5;
	s1 =	sshll.u32 s1, $0x3;
	s14 =	sadd.s32 $0x13800, s26  }
0x16: {  	s26 =	simm.s32 $0x8C00;
	s7 =	sadd.s32 $0xE00, s7;
	s1 =	sadd.s32 s1, s15  }
0x17: {  	s13 =	sadd.s32 $0x13000, s5;
	s15 =	sadd.s32 s0, s15;
	s16 =	sadd.s32 $0x800, s1  }
.LBB2_1:
0x18: {  	s0 =	rddreg [dreg:$0x4]  }
0x19: {  	[tilespmem:s2], [sflag:$0x5] =	stream.linear.gather [hbm4b:s0+s2], $0x200, $0x38;
	[tilespmem:$0xAC00] =	vst v63  }
0x1a: {  	_ =	swait.ge [sflag:s17], $0x200  }
0x1b: {  	[sflag:s17] =	ssyncset.done $0x0  }
0x1c: {  	s1 =	rddreg [dreg:$0x5];
	[sflag:s17] =	ssyncadd.s32 $0xFFFFFE00  }
0x1d: {  	[tilespmem:s18], [sflag:$0x5] =	stream.linear.gather [hbm4b:s1+s2], $0x200, $0x38;
	[tilespmem:$0xAC00] =	vst v63  }
0x1e: {  	_ =	swait.ge [sflag:s17], $0x200  }
0x1f: {  	[sflag:s17] =	ssyncset.done $0x0  }
0x20: {  	[sflag:s17] =	ssyncadd.s32 $0xFFFFFE00  }
0x21: {  	[tilespmem:s19], [sflag:$0x5] =	stream.linear.gather [hbm4b:s7+s2], $0x2800, $0x38;
	[tilespmem:$0xAC00] =	vst v63  }
0x22: {  	_ =	swait.ge [sflag:s17], $0x2800  }
0x23: {  	[sflag:s17] =	ssyncset.done $0x0  }
0x24: {  	[sflag:s17] =	ssyncadd.s32 $0xFFFFD800  }
0x25: {  	[tilespmem:s21], [sflag:$0x1] =	stream.indirect.gather [hbm4b:s3+s20], $0x40, s2, s20, $0xb8;
	[tilespmem:$0xAC00] =	vst v63  }
0x26: {  	_ = 	snop  }
0x27: {  	[tilespmem:s22], [sflag:$0x1] =	stream.indirect.gather [hbm4b:s3+s20], $0x40, s20, s20, $0xb8;
	[tilespmem:$0xAC00] =	vst v63  }
0x28: {  	s5 =	simm.s32 $0x100  }
0x29: {  	[tilespmem:s24], [sflag:$0x2] =	stream.indirect.gather [hbm4b:s3+s20], $0x40, s5, s20, $0xb8;
	[tilespmem:$0xAC00] =	vst v63  }
0x2a: {  	s6 =	simm.s32 $0x180  }
0x2b: {  	[tilespmem:s26], [sflag:$0x2] =	stream.indirect.gather [hbm4b:s3+s20], $0x40, s6, s20, $0xb8;
	[tilespmem:$0xAC00] =	vst v63  }
0x2c: {  	_ =	swait.ge [sflag:s28], $0x2000  }
0x2d: {  	[sflag:s28] =	ssyncset.done $0x0  }
0x2e: {  	[sflag:s28] =	ssyncadd.s32 $0xFFFFE000  }
0x2f: {  	_ =	swait.ge [sflag:s28], $0x2000  }
0x30: {  	[sflag:s28] =	ssyncset.done $0x0  }
0x31: {  	[sflag:s28] =	ssyncadd.s32 $0xFFFFE000  }
0x32: {  	[hbm4b:s8+s2] =	stream.linear.scatter [tilespmem:s21], [sflag:$0x3], $0x4000, $0x38;
	[tilespmem:$0xAC00] =	vst v63  }
0x33: {  	_ =	swait.ge [sflag:s29], $0x2000  }
0x34: {  	[sflag:s29] =	ssyncset.done $0x0  }
0x35: {  	[sflag:s29] =	ssyncadd.s32 $0xFFFFE000  }
0x36: {  	_ =	swait.ge [sflag:s29], $0x2000  }
0x37: {  	[sflag:s29] =	ssyncset.done $0x0  }
0x38: {  	[sflag:s29] =	ssyncadd.s32 $0xFFFFE000  }
0x39: {  	[hbm4b:s9+s2] =	stream.linear.scatter [tilespmem:s24], [sflag:$0x4], $0x4000, $0x38;
	[tilespmem:$0xAC00] =	vst v63  }
0x3a: {  	_ =	swait.ge [sflag:s30], $0x4000  }
0x3b: {  	[sflag:s30] =	ssyncset.done $0x0  }
0x3c: {  	[sflag:s30] =	ssyncadd.s32 $0xFFFFC000  }
0x3d: {  	_ =	swait.ge [sflag:s31], $0x4000  }
0x3e: {  	[sflag:s31] =	ssyncset.done $0x0  }
0x3f: {  	[sflag:s31] =	ssyncadd.s32 $0xFFFFC000  }
0x40: {  	[tilespmem:s21], [sflag:$0x1] =	stream.indirect.gather [hbm4b:s4+s20], $0x40, s18, s20, $0xb8;
	[tilespmem:$0xAC00] =	vst v63  }
0x41: {  	s25 =	simm.s32 $0x280  }
0x42: {  	[tilespmem:s22], [sflag:$0x1] =	stream.indirect.gather [hbm4b:s4+s20], $0x40, s25, s20, $0xb8;
	[tilespmem:$0xAC00] =	vst v63  }
0x43: {  	s1 =	simm.s32 $0x300  }
0x44: {  	[tilespmem:s24], [sflag:$0x2] =	stream.indirect.gather [hbm4b:s4+s20], $0x40, s1, s20, $0xb8;
	[tilespmem:$0xAC00] =	vst v63  }
0x45: {  	s5 =	simm.s32 $0x380  }
0x46: {  	[tilespmem:s26], [sflag:$0x2] =	stream.indirect.gather [hbm4b:s4+s20], $0x40, s5, s20, $0xb8;
	[tilespmem:$0xAC00] =	vst v63  }
0x47: {  	_ =	swait.ge [sflag:s28], $0x2000  }
0x48: {  	[sflag:s28] =	ssyncset.done $0x0  }
0x49: {  	[sflag:s28] =	ssyncadd.s32 $0xFFFFE000  }
0x4a: {  	_ =	swait.ge [sflag:s28], $0x2000  }
0x4b: {  	[sflag:s28] =	ssyncset.done $0x0  }
0x4c: {  	[sflag:s28] =	ssyncadd.s32 $0xFFFFE000  }
0x4d: {  	[hbm4b:s10+s2] =	stream.linear.scatter [tilespmem:s21], [sflag:$0x3], $0x4000, $0x38;
	[tilespmem:$0xAC00] =	vst v63  }
0x4e: {  	_ =	swait.ge [sflag:s29], $0x2000  }
0x4f: {  	[sflag:s29] =	ssyncset.done $0x0  }
0x50: {  	[sflag:s29] =	ssyncadd.s32 $0xFFFFE000  }
0x51: {  	_ =	swait.ge [sflag:s29], $0x2000  }
0x52: {  	[sflag:s29] =	ssyncset.done $0x0  }
0x53: {  	[sflag:s29] =	ssyncadd.s32 $0xFFFFE000  }
0x54: {  	[hbm4b:s11+s2] =	stream.linear.scatter [tilespmem:s24], [sflag:$0x4], $0x4000, $0x38;
	[tilespmem:$0xAC00] =	vst v63  }
0x55: {  	_ =	swait.ge [sflag:s30], $0x4000  }
0x56: {  	[sflag:s30] =	ssyncset.done $0x0  }
0x57: {  	[sflag:s30] =	ssyncadd.s32 $0xFFFFC000  }
0x58: {  	_ =	swait.ge [sflag:s31], $0x4000  }
0x59: {  	[sflag:s31] =	ssyncset.done $0x0  }
0x5a: {  	[sflag:s31] =	ssyncadd.s32 $0xFFFFC000  }
0x5b: {  	[tilespmem:s21], [sflag:$0x1] =	stream.indirect.gather [hbm4b:s4+s20], $0x40, s19, s20, $0xb8;
	[tilespmem:$0xAC00] =	vst v63  }
0x5c: {  	s6 =	simm.s32 $0x480  }
0x5d: {  	[tilespmem:s22], [sflag:$0x1] =	stream.indirect.gather [hbm4b:s4+s20], $0x40, s6, s20, $0xb8;
	[tilespmem:$0xAC00] =	vst v63  }
0x5e: {  	s25 =	simm.s32 $0x500  }
0x5f: {  	[tilespmem:s24], [sflag:$0x2] =	stream.indirect.gather [hbm4b:s4+s20], $0x40, s25, s20, $0xb8;
	[tilespmem:$0xAC00] =	vst v63  }
0x60: {  	s1 =	simm.s32 $0x580  }
0x61: {  	[tilespmem:s26], [sflag:$0x2] =	stream.indirect.gather [hbm4b:s4+s20], $0x40, s1, s20, $0xb8;
	[tilespmem:$0xAC00] =	vst v63  }
0x62: {  	_ =	swait.ge [sflag:s28], $0x2000  }
0x63: {  	[sflag:s28] =	ssyncset.done $0x0  }
0x64: {  	[sflag:s28] =	ssyncadd.s32 $0xFFFFE000  }
0x65: {  	_ =	swait.ge [sflag:s28], $0x2000  }
0x66: {  	[sflag:s28] =	ssyncset.done $0x0  }
0x67: {  	[sflag:s28] =	ssyncadd.s32 $0xFFFFE000  }
0x68: {  	[hbm4b:s15+s2] =	stream.linear.scatter [tilespmem:s21], [sflag:$0x3], $0x4000, $0x38;
	[tilespmem:$0xAC00] =	vst v63  }
0x69: {  	_ =	swait.ge [sflag:s30], $0x4000  }
0x6a: {  	[sflag:s30] =	ssyncset.done $0x0  }
0x6b: {  	s5 =	simm.s32 $0x600;
	[sflag:s30] =	ssyncadd.s32 $0xFFFFC000  }
0x6c: {  	[tilespmem:s21], [sflag:$0x1] =	stream.indirect.gather [hbm4b:s4+s20], $0x40, s5, s20, $0xb8;
	[tilespmem:$0xAC00] =	vst v63  }
0x6d: {  	s6 =	simm.s32 $0x680  }
0x6e: {  	[tilespmem:s22], [sflag:$0x1] =	stream.indirect.gather [hbm4b:s4+s20], $0x40, s6, s20, $0xb8;
	[tilespmem:$0xAC00] =	vst v63  }
0x6f: {  	_ =	swait.ge [sflag:s29], $0x2000  }
0x70: {  	[sflag:s29] =	ssyncset.done $0x0  }
0x71: {  	[sflag:s29] =	ssyncadd.s32 $0xFFFFE000  }
0x72: {  	_ =	swait.ge [sflag:s29], $0x2000  }
0x73: {  	[sflag:s29] =	ssyncset.done $0x0  }
0x74: {  	[sflag:s29] =	ssyncadd.s32 $0xFFFFE000  }
0x75: {  	[hbm4b:s16+s2] =	stream.linear.scatter [tilespmem:s24], [sflag:$0x4], $0x4000, $0x38;
	[tilespmem:$0xAC00] =	vst v63  }
0x76: {  	_ =	swait.ge [sflag:s31], $0x4000  }
0x77: {  	[sflag:s31] =	ssyncset.done $0x0  }
0x78: {  	s0 =	sadd.s32 $0x1000, s16;
	s25 =	simm.s32 $0x700;
	[sflag:s31] =	ssyncadd.s32 $0xFFFFC000  }
0x79: {  	[tilespmem:s24], [sflag:$0x2] =	stream.indirect.gather [hbm4b:s4+s20], $0x40, s25, s20, $0xb8;
	[tilespmem:$0xAC00] =	vst v63  }
0x7a: {  	s1 =	sadd.s32 $0x1000, s15;
	s5 =	simm.s32 $0x780;
	s25 =	simm.s32 $0x800  }
.LBB2_2:
0x7b: {  	[tilespmem:s26], [sflag:$0x2] =	stream.indirect.gather [hbm4b:s4+s20], $0x40, s5, s20, $0xb8;
	[tilespmem:$0xAC00] =	vst v63  }
0x7c: {  	s5 =	smov.u32 s25  }
0x7d: {  	p0 =	sne.s32 s25, $0x9000;
	s25 =	sadd.s32 $0x800, s25;
	_ =	swait.ge [sflag:s28], $0x2000  }
0x7e: {  	[sflag:s28] =	ssyncset.done $0x0  }
0x7f: {  	[sflag:s28] =	ssyncadd.s32 $0xFFFFE000  }
0x80: {  	_ =	swait.ge [sflag:s28], $0x2000  }
0x81: {  	[sflag:s28] =	ssyncset.done $0x0  }
0x82: {  	[sflag:s28] =	ssyncadd.s32 $0xFFFFE000  }
0x83: {  	[hbm4b:s1+s2] =	stream.linear.scatter [tilespmem:s21], [sflag:$0x3], $0x4000, $0x38;
	[tilespmem:$0xAC00] =	vst v63  }
0x84: {  	_ =	swait.ge [sflag:s30], $0x4000  }
0x85: {  	s5 =	sshra.s32 s5, $0x2;
	[sflag:s30] =	ssyncset.done $0x0  }
0x86: {  	s6 =	sadd.s32 $0x600, s5;
	[sflag:s30] =	ssyncadd.s32 $0xFFFFC000  }
0x87: {  	[tilespmem:s21], [sflag:$0x1] =	stream.indirect.gather [hbm4b:s4+s20], $0x40, s6, s20, $0xb8;
	[tilespmem:$0xAC00] =	vst v63  }
0x88: {  	s6 =	sadd.s32 $0x680, s5  }
0x89: {  	[tilespmem:s22], [sflag:$0x1] =	stream.indirect.gather [hbm4b:s4+s20], $0x40, s6, s20, $0xb8;
	[tilespmem:$0xAC00] =	vst v63  }
0x8a: {  	_ =	swait.ge [sflag:s29], $0x2000  }
0x8b: {  	[sflag:s29] =	ssyncset.done $0x0  }
0x8c: {  	[sflag:s29] =	ssyncadd.s32 $0xFFFFE000  }
0x8d: {  	_ =	swait.ge [sflag:s29], $0x2000  }
0x8e: {  	[sflag:s29] =	ssyncset.done $0x0  }
0x8f: {  	[sflag:s29] =	ssyncadd.s32 $0xFFFFE000  }
0x90: {  	[hbm4b:s0+s2] =	stream.linear.scatter [tilespmem:s24], [sflag:$0x4], $0x4000, $0x38;
	[tilespmem:$0xAC00] =	vst v63  }
.Ltmp0:
0x91: {  	_ =	swait.ge [sflag:s31], $0x4000;
	(pc) =	sbr.rel @p0 .LBB2_2-.Ltmp0, $4  }
0x92: {  	[sflag:s31] =	ssyncset.done $0x0  }
0x93: {  	s6 =	sadd.s32 $0x700, s5;
	[sflag:s31] =	ssyncadd.s32 $0xFFFFC000  }
0x94: {  	[tilespmem:s24], [sflag:$0x2] =	stream.indirect.gather [hbm4b:s4+s20], $0x40, s6, s20, $0xb8;
	[tilespmem:$0xAC00] =	vst v63  }
0x95: {  	s1 =	sadd.s32 $0x1000, s1;
	s5 =	sadd.s32 $0x780, s5;
	s0 =	sadd.s32 $0x1000, s0  }
0x96: {  	[tilespmem:s26], [sflag:$0x2] =	stream.indirect.gather [hbm4b:s4+s20], $0x40, s5, s20, $0xb8;
	[tilespmem:$0xAC00] =	vst v63  }
0x97: {  	_ =	swait.ge [sflag:s28], $0x2000  }
0x98: {  	[sflag:s28] =	ssyncset.done $0x0  }
0x99: {  	[sflag:s28] =	ssyncadd.s32 $0xFFFFE000  }
0x9a: {  	_ =	swait.ge [sflag:s28], $0x2000  }
0x9b: {  	[sflag:s28] =	ssyncset.done $0x0  }
0x9c: {  	[sflag:s28] =	ssyncadd.s32 $0xFFFFE000  }
0x9d: {  	[hbm4b:s13+s2] =	stream.linear.scatter [tilespmem:s21], [sflag:$0x3], $0x4000, $0x38;
	[tilespmem:$0xAC00] =	vst v63  }
0x9e: {  	_ =	swait.ge [sflag:s29], $0x2000  }
0x9f: {  	[sflag:s29] =	ssyncset.done $0x0  }
0xa0: {  	[sflag:s29] =	ssyncadd.s32 $0xFFFFE000  }
0xa1: {  	_ =	swait.ge [sflag:s29], $0x2000  }
0xa2: {  	[sflag:s29] =	ssyncset.done $0x0  }
0xa3: {  	s23 =	sadd.s32 $0x1, s23;
	[sflag:s29] =	ssyncadd.s32 $0xFFFFE000  }
0xa4: {  	[hbm4b:s14+s2] =	stream.linear.scatter [tilespmem:s24], [sflag:$0x4], $0x4000, $0x38;
	[tilespmem:$0xAC00] =	vst v63  }
0xa5: {  	p0 =	sne.s32 s23, s12;
	_ =	swait.ge [sflag:s30], $0x4000  }
.Ltmp1:
0xa6: {  	[sflag:s30] =	ssyncset.done $0x0;
	(pc) =	sbr.rel @p0 .LBB2_1-.Ltmp1, $4  }
0xa7: {  	[sflag:s30] =	ssyncadd.s32 $0xFFFFC000  }
0xa8: {  	_ =	swait.ge [sflag:s31], $0x4000  }
0xa9: {  	[sflag:s31] =	ssyncset.done $0x0  }
0xaa: {  	[sflag:s31] =	ssyncadd.s32 $0xFFFFC000  }
0xab: {  	_ =	sfence.sel $0x180000  }
0xac: {  	[bflag:$0x0] =	sbarrier.arrive $0xFFFF  }
0xad: {  	_ =	strace $0x90000047  }
0xae: {  	s0 =	stileid.u32;
	[bflag:$0x2] =	sbarrier.arrive $0xFFFF  }
0xaf: {  	p0 =	sne.s32 s0, $0x0;
	s0 =	rddreg [dreg:$0x3]  }
0xb0: {  	s0 =	sadd.s32 @!p0 $0x100000, s0  }
0xb1: {  	[sflag:s0] =	ssyncadd.tile.s32 @!p0 $0x1;
	_ =	shalt  }
.Lfunc_end2:
_tile_overlayer_lowered:
.L_overlay_start_2:
0xb2: {  	(tag) =	ssettag $0x2  }
0xb3: {  	s0 =	rddreg [dreg:$0x0];
	s2 =	stileid.u32  }
0xb4: {  	s1 =	rddreg [dreg:$0x1];
	p0 =	sne.s32 s2, $0x0  }
0xb5: {  	s3 =	rddreg [dreg:$0x2];
	[bflag:$0x3] =	sbarrier.arrive $0xFFFF;
	s2 =	simm.s32 @!p0 $0x1C05  }
0xb6: {  	[timem:s3], [sflag:s2] =	dma.local @!p0 [hbm:s0], s1  }
0xb7: {  	s0 =	simm.s32 @!p0 $0x5  }
0xb8: {  	_ =	swait.ge @!p0 [sflag:s0], s1  }
0xb9: {  	s1 =	ssub.s32 @!p0 $0x0, s1;
	[sflag:s0] =	ssyncset.done @!p0 $0x0  }
0xba: {  	[sflag:s0] =	ssyncadd.s32 @!p0 s1  }
0xbb: {  	[bflag:$0x3] =	sbarrier.arrive $0xFFFF  }
0xbc: {  	_ =	shalt  }

</sc_bundles>
